<compile_context>
chip_gen: v7x
topology: tpu7x:2x2x1
jax: 0.10.2.dev20260603
libtpu: 0.0.44.dev20260713+nightly
codegen_flags: <defaults>
</compile_context>

<pallas_src>
import functools

import jax
import jax.numpy as jnp
from jax import lax
from jax.experimental import pallas as pl
from jax.experimental.pallas import tpu as pltpu
from jax.experimental.pallas import tpu_sc as plsc

D_MODEL = 64
NC, NS = 2, 16
NW = NC * NS
NBUF = 3
CHUNK = 128
BAT = 4


def _make_kernel(n_idx):
    n_chunks_w = n_idx // (NW * CHUNK)
    n_blocks_w = n_chunks_w // BAT
    mesh = plsc.VectorSubcoreMesh(core_axis_name="c", subcore_axis_name="s")

    scratch = [
        pltpu.VMEM((n_chunks_w, CHUNK), jnp.int32),
        pltpu.VMEM((NBUF, BAT, CHUNK, D_MODEL), jnp.float32),
    ] + [pltpu.SemaphoreType.DMA] * (2 * NBUF)

    @functools.partial(
        pl.kernel,
        out_type=jax.ShapeDtypeStruct((n_idx // CHUNK, CHUNK, D_MODEL),
                                      jnp.float32),
        mesh=mesh,
        scratch_types=scratch,
        compiler_params=pltpu.CompilerParams(use_tc_tiling_on_sc=False),
    )
    def k(x_hbm, w_hbm, out_hbm, idx_v, blocks, *sems):
        gsem = sems[:NBUF]
        wsem = sems[NBUF:]
        wid = lax.axis_index("s") * NC + lax.axis_index("c")

        pltpu.sync_copy(x_hbm.at[pl.ds(wid * n_chunks_w, n_chunks_w)], idx_v)

        def start_gather(b, s):
            for j in range(BAT):
                pltpu.async_copy(w_hbm.at[idx_v.at[b * BAT + j]],
                                 blocks.at[s, j], gsem[s])

        def wait_gather(s):
            for j in range(BAT):
                pltpu.make_async_copy(w_hbm.at[idx_v.at[0]],
                                      blocks.at[s, j], gsem[s]).wait()

        def start_write(b, s):
            base = wid * n_chunks_w + b * BAT
            dst = out_hbm.at[pl.ds(base, BAT)]
            pltpu.async_copy(blocks.at[s], dst, wsem[s])

        def wait_write(s):
            dst = out_hbm.at[pl.ds(0, BAT)]
            pltpu.make_async_copy(blocks.at[s], dst, wsem[s]).wait()

        for s in range(NBUF):
            start_gather(s, s)

        @pl.loop(0, n_blocks_w // NBUF)
        def _(t):
            bo = t * NBUF
            for s in range(NBUF):
                wait_gather(s)
                start_write(bo + s, s)
            for s in range(NBUF):
                nxt = bo + NBUF + s

                @pl.when(nxt < n_blocks_w)
                def _():
                    wait_write(s)
                    start_gather(nxt, s)

        for b in range((n_blocks_w // NBUF) * NBUF, n_blocks_w):
            s = b % NBUF
            wait_gather(s)
            start_write(b, s)

        for s in range(NBUF):
            wait_write(s)

    return k


def kernel(x, w):
    B, S = x.shape
    n_idx = B * S
    x2d = x.astype(jnp.int32).reshape(n_idx // CHUNK, CHUNK)
    out = _make_kernel(n_idx)(x2d, w)
    return out.reshape(B, S, D_MODEL)

# --- scband reference (transcript-rebuilt; emitter-appended) ---
"""Pipeline reference for scband-embeddings-9010841387081 (READ-ONLY COPY).

The authoritative reference and input builder live on the scoring server;
editing this copy changes nothing except your own understanding.
"""

import jax, jax.numpy as jnp
import numpy as np

D_VOCAB = 1000000
D_MODEL = 64

def setup_inputs(seed: int = 0) -> dict:
    key = jax.random.key(seed)
    k_idx, k_w = jax.random.split(key)
    x = jax.random.randint(k_idx, (4096, 200), 0, D_VOCAB, dtype=jnp.int64 if jax.config.jax_enable_x64 else jnp.int32)
    w = jax.random.normal(k_w, (D_VOCAB, D_MODEL), dtype=jnp.float32) * (1.0 / np.sqrt(D_VOCAB))
    return {"x": x, "w": w}

def reference(x, w):
    # Faithful translation of Embeddings.__call__: w[x, :]
    return jnp.take(w, x, axis=0)

if __name__ == "__main__":
    import jax
    _d = setup_inputs()
    print(jax.jit(kernel)(*tuple(_d.values())))

</pallas_src>

<mosaic_0001>
#map = affine_map<(d0, d1) -> (0, 0)>
#map1 = affine_map<(d0, d1) -> (0, 0, 0)>
module attributes {stable_mosaic.version = 14 : i64} {
  func.func @k(%arg0: i32, %arg1: i32, %arg2: memref<6400x128xi32, #tpu.memory_space<hbm>>, %arg3: memref<1000000x64xf32, #tpu.memory_space<hbm>>, %arg4: memref<6400x128x64xf32, #tpu.memory_space<hbm>>, %arg5: memref<200x128xi32, #tpu.memory_space<vmem>>, %arg6: memref<3x4x128x64xf32, #tpu.memory_space<vmem>>, %arg7: memref<!tpu.dma_semaphore, #tpu.memory_space<semaphore_mem>>, %arg8: memref<!tpu.dma_semaphore, #tpu.memory_space<semaphore_mem>>, %arg9: memref<!tpu.dma_semaphore, #tpu.memory_space<semaphore_mem>>, %arg10: memref<!tpu.dma_semaphore, #tpu.memory_space<semaphore_mem>>, %arg11: memref<!tpu.dma_semaphore, #tpu.memory_space<semaphore_mem>>, %arg12: memref<!tpu.dma_semaphore, #tpu.memory_space<semaphore_mem>>) attributes {dimension_semantics = [#tpu.dimension_semantics<core_parallel>, #tpu.dimension_semantics<subcore_parallel>], iteration_bounds = array<i64: 2, 16>, scalar_prefetch = 0 : i64, scratch_operands = 8 : i64, tpu.core_type = #tpu.core_type<sc_vector_subcore>, window_params = [{transform_indices = #map}, {transform_indices = #map}, {transform_indices = #map1}]} {
    %mul3A = arith.constant 2 : i32
    %mul3A_0 = arith.muli %arg1, %mul3A : i32
    %add3A = arith.addi %mul3A_0, %arg0 : i32
    %mul3A_1 = arith.constant 200 : i32
    %mul3A_2 = arith.muli %add3A, %mul3A_1 : i32
    "tpu.region"() ({
      %run_scoped3A = tpu.sem_alloc : memref<!tpu.dma_semaphore, #tpu.memory_space<semaphore_mem>>
      %dma_start3A_364 = arith.constant 0 : i32
      %dma_start3A_365 = tpu.memref_slice %arg2[%mul3A_2, %dma_start3A_364] : memref<6400x128xi32, #tpu.memory_space<hbm>> -> memref<200x128xi32, #tpu.memory_space<hbm>>
      %dma_start3A_366 = arith.constant 0 : i32
      %dma_start3A_367 = tpu.memref_slice %arg2[%mul3A_2, %dma_start3A_366] : memref<6400x128xi32, #tpu.memory_space<hbm>> -> memref<200x128xi32, #tpu.memory_space<hbm>>
      tpu.enqueue_dma source(%dma_start3A_367 : memref<200x128xi32, #tpu.memory_space<hbm>>) target(%arg5 : memref<200x128xi32, #tpu.memory_space<vmem>>) target_semaphore(%run_scoped3A : memref<!tpu.dma_semaphore, #tpu.memory_space<semaphore_mem>>)
      %dma_wait3A_368 = arith.constant 0 : i32
      %dma_wait3A_369 = tpu.memref_slice %arg2[%mul3A_2, %dma_wait3A_368] : memref<6400x128xi32, #tpu.memory_space<hbm>> -> memref<200x128xi32, #tpu.memory_space<hbm>>
      %dma_wait3A_370 = arith.constant 0 : i32
      %dma_wait3A_371 = tpu.memref_slice %arg2[%mul3A_2, %dma_wait3A_370] : memref<6400x128xi32, #tpu.memory_space<hbm>> -> memref<200x128xi32, #tpu.memory_space<hbm>>
      tpu.wait_dma2 semaphore(%run_scoped3A : memref<!tpu.dma_semaphore, #tpu.memory_space<semaphore_mem>>) src(%dma_wait3A_371 : memref<200x128xi32, #tpu.memory_space<hbm>>) dst(%arg5 : memref<200x128xi32, #tpu.memory_space<vmem>>)
      tpu.yield
    }) : () -> ()
    %dma_start3A = arith.constant 0 : i32
    %dma_start3A_3 = arith.constant 0 : i32
    %dma_start3A_4 = arith.constant 0 : i32
    %dma_start3A_5 = arith.constant 0 : i32
    %dma_start3A_6 = arith.constant 0 : i32
    %dma_start3A_7 = tpu.memref_slice %arg6[%dma_start3A_3, %dma_start3A_4, %dma_start3A_5, %dma_start3A_6] : memref<3x4x128x64xf32, #tpu.memory_space<vmem>> -> memref<1x1x128x64xf32, #tpu.memory_space<vmem>>
    %dma_start3A_8 = tpu.memref_squeeze %dma_start3A_7 : memref<1x1x128x64xf32, #tpu.memory_space<vmem>> -> memref<128x64xf32, #tpu.memory_space<vmem>>
    %dma_start3A_9 = arith.constant 0 : i32
    %dma_start3A_10 = tpu.memref_slice %arg5[%dma_start3A, %dma_start3A_9] : memref<200x128xi32, #tpu.memory_space<vmem>> -> memref<1x128xi32, #tpu.memory_space<vmem>>
    %dma_start3A_11 = tpu.memref_squeeze %dma_start3A_10 : memref<1x128xi32, #tpu.memory_space<vmem>> -> memref<128xi32, #tpu.memory_space<vmem>>
    %dma_start3A_12 = arith.constant 0 : i32
    %dma_start3A_13 = arith.constant 0 : i32
    %dma_start3A_14 = tpu.memref_slice %arg3[%dma_start3A_12, %dma_start3A_13] : memref<1000000x64xf32, #tpu.memory_space<hbm>> -> memref<1000000x64xf32, #tpu.memory_space<hbm>>
    tpu.enqueue_indirect_dma source(%dma_start3A_14 : memref<1000000x64xf32, #tpu.memory_space<hbm>>) target(%dma_start3A_8 : memref<128x64xf32, #tpu.memory_space<vmem>>) offsets(%dma_start3A_11 : memref<128xi32, #tpu.memory_space<vmem>>) semaphore(%arg7 : memref<!tpu.dma_semaphore, #tpu.memory_space<semaphore_mem>>)
    %dma_start3A_15 = arith.constant 1 : i32
    %dma_start3A_16 = arith.constant 0 : i32
    %dma_start3A_17 = arith.constant 1 : i32
    %dma_start3A_18 = arith.constant 0 : i32
    %dma_start3A_19 = arith.constant 0 : i32
    %dma_start3A_20 = tpu.memref_slice %arg6[%dma_start3A_16, %dma_start3A_17, %dma_start3A_18, %dma_start3A_19] : memref<3x4x128x64xf32, #tpu.memory_space<vmem>> -> memref<1x1x128x64xf32, #tpu.memory_space<vmem>>
    %dma_start3A_21 = tpu.memref_squeeze %dma_start3A_20 : memref<1x1x128x64xf32, #tpu.memory_space<vmem>> -> memref<128x64xf32, #tpu.memory_space<vmem>>
    %dma_start3A_22 = arith.constant 0 : i32
    %dma_start3A_23 = tpu.memref_slice %arg5[%dma_start3A_15, %dma_start3A_22] : memref<200x128xi32, #tpu.memory_space<vmem>> -> memref<1x128xi32, #tpu.memory_space<vmem>>
    %dma_start3A_24 = tpu.memref_squeeze %dma_start3A_23 : memref<1x128xi32, #tpu.memory_space<vmem>> -> memref<128xi32, #tpu.memory_space<vmem>>
    %dma_start3A_25 = arith.constant 0 : i32
    %dma_start3A_26 = arith.constant 0 : i32
    %dma_start3A_27 = tpu.memref_slice %arg3[%dma_start3A_25, %dma_start3A_26] : memref<1000000x64xf32, #tpu.memory_space<hbm>> -> memref<1000000x64xf32, #tpu.memory_space<hbm>>
    tpu.enqueue_indirect_dma source(%dma_start3A_27 : memref<1000000x64xf32, #tpu.memory_space<hbm>>) target(%dma_start3A_21 : memref<128x64xf32, #tpu.memory_space<vmem>>) offsets(%dma_start3A_24 : memref<128xi32, #tpu.memory_space<vmem>>) semaphore(%arg7 : memref<!tpu.dma_semaphore, #tpu.memory_space<semaphore_mem>>)
    %dma_start3A_28 = arith.constant 2 : i32
    %dma_start3A_29 = arith.constant 0 : i32
    %dma_start3A_30 = arith.constant 2 : i32
    %dma_start3A_31 = arith.constant 0 : i32
    %dma_start3A_32 = arith.constant 0 : i32
    %dma_start3A_33 = tpu.memref_slice %arg6[%dma_start3A_29, %dma_start3A_30, %dma_start3A_31, %dma_start3A_32] : memref<3x4x128x64xf32, #tpu.memory_space<vmem>> -> memref<1x1x128x64xf32, #tpu.memory_space<vmem>>
    %dma_start3A_34 = tpu.memref_squeeze %dma_start3A_33 : memref<1x1x128x64xf32, #tpu.memory_space<vmem>> -> memref<128x64xf32, #tpu.memory_space<vmem>>
    %dma_start3A_35 = arith.constant 0 : i32
    %dma_start3A_36 = tpu.memref_slice %arg5[%dma_start3A_28, %dma_start3A_35] : memref<200x128xi32, #tpu.memory_space<vmem>> -> memref<1x128xi32, #tpu.memory_space<vmem>>
    %dma_start3A_37 = tpu.memref_squeeze %dma_start3A_36 : memref<1x128xi32, #tpu.memory_space<vmem>> -> memref<128xi32, #tpu.memory_space<vmem>>
    %dma_start3A_38 = arith.constant 0 : i32
    %dma_start3A_39 = arith.constant 0 : i32
    %dma_start3A_40 = tpu.memref_slice %arg3[%dma_start3A_38, %dma_start3A_39] : memref<1000000x64xf32, #tpu.memory_space<hbm>> -> memref<1000000x64xf32, #tpu.memory_space<hbm>>
    tpu.enqueue_indirect_dma source(%dma_start3A_40 : memref<1000000x64xf32, #tpu.memory_space<hbm>>) target(%dma_start3A_34 : memref<128x64xf32, #tpu.memory_space<vmem>>) offsets(%dma_start3A_37 : memref<128xi32, #tpu.memory_space<vmem>>) semaphore(%arg7 : memref<!tpu.dma_semaphore, #tpu.memory_space<semaphore_mem>>)
    %dma_start3A_41 = arith.constant 3 : i32
    %dma_start3A_42 = arith.constant 0 : i32
    %dma_start3A_43 = arith.constant 3 : i32
    %dma_start3A_44 = arith.constant 0 : i32
    %dma_start3A_45 = arith.constant 0 : i32
    %dma_start3A_46 = tpu.memref_slice %arg6[%dma_start3A_42, %dma_start3A_43, %dma_start3A_44, %dma_start3A_45] : memref<3x4x128x64xf32, #tpu.memory_space<vmem>> -> memref<1x1x128x64xf32, #tpu.memory_space<vmem>>
    %dma_start3A_47 = tpu.memref_squeeze %dma_start3A_46 : memref<1x1x128x64xf32, #tpu.memory_space<vmem>> -> memref<128x64xf32, #tpu.memory_space<vmem>>
    %dma_start3A_48 = arith.constant 0 : i32
    %dma_start3A_49 = tpu.memref_slice %arg5[%dma_start3A_41, %dma_start3A_48] : memref<200x128xi32, #tpu.memory_space<vmem>> -> memref<1x128xi32, #tpu.memory_space<vmem>>
    %dma_start3A_50 = tpu.memref_squeeze %dma_start3A_49 : memref<1x128xi32, #tpu.memory_space<vmem>> -> memref<128xi32, #tpu.memory_space<vmem>>
    %dma_start3A_51 = arith.constant 0 : i32
    %dma_start3A_52 = arith.constant 0 : i32
    %dma_start3A_53 = tpu.memref_slice %arg3[%dma_start3A_51, %dma_start3A_52] : memref<1000000x64xf32, #tpu.memory_space<hbm>> -> memref<1000000x64xf32, #tpu.memory_space<hbm>>
    tpu.enqueue_indirect_dma source(%dma_start3A_53 : memref<1000000x64xf32, #tpu.memory_space<hbm>>) target(%dma_start3A_47 : memref<128x64xf32, #tpu.memory_space<vmem>>) offsets(%dma_start3A_50 : memref<128xi32, #tpu.memory_space<vmem>>) semaphore(%arg7 : memref<!tpu.dma_semaphore, #tpu.memory_space<semaphore_mem>>)
    %dma_start3A_54 = arith.constant 4 : i32
    %dma_start3A_55 = arith.constant 1 : i32
    %dma_start3A_56 = arith.constant 0 : i32
    %dma_start3A_57 = arith.constant 0 : i32
    %dma_start3A_58 = arith.constant 0 : i32
    %dma_start3A_59 = tpu.memref_slice %arg6[%dma_start3A_55, %dma_start3A_56, %dma_start3A_57, %dma_start3A_58] : memref<3x4x128x64xf32, #tpu.memory_space<vmem>> -> memref<1x1x128x64xf32, #tpu.memory_space<vmem>>
    %dma_start3A_60 = tpu.memref_squeeze %dma_start3A_59 : memref<1x1x128x64xf32, #tpu.memory_space<vmem>> -> memref<128x64xf32, #tpu.memory_space<vmem>>
    %dma_start3A_61 = arith.constant 0 : i32
    %dma_start3A_62 = tpu.memref_slice %arg5[%dma_start3A_54, %dma_start3A_61] : memref<200x128xi32, #tpu.memory_space<vmem>> -> memref<1x128xi32, #tpu.memory_space<vmem>>
    %dma_start3A_63 = tpu.memref_squeeze %dma_start3A_62 : memref<1x128xi32, #tpu.memory_space<vmem>> -> memref<128xi32, #tpu.memory_space<vmem>>
    %dma_start3A_64 = arith.constant 0 : i32
    %dma_start3A_65 = arith.constant 0 : i32
    %dma_start3A_66 = tpu.memref_slice %arg3[%dma_start3A_64, %dma_start3A_65] : memref<1000000x64xf32, #tpu.memory_space<hbm>> -> memref<1000000x64xf32, #tpu.memory_space<hbm>>
    tpu.enqueue_indirect_dma source(%dma_start3A_66 : memref<1000000x64xf32, #tpu.memory_space<hbm>>) target(%dma_start3A_60 : memref<128x64xf32, #tpu.memory_space<vmem>>) offsets(%dma_start3A_63 : memref<128xi32, #tpu.memory_space<vmem>>) semaphore(%arg8 : memref<!tpu.dma_semaphore, #tpu.memory_space<semaphore_mem>>)
    %dma_start3A_67 = arith.constant 5 : i32
    %dma_start3A_68 = arith.constant 1 : i32
    %dma_start3A_69 = arith.constant 1 : i32
    %dma_start3A_70 = arith.constant 0 : i32
    %dma_start3A_71 = arith.constant 0 : i32
    %dma_start3A_72 = tpu.memref_slice %arg6[%dma_start3A_68, %dma_start3A_69, %dma_start3A_70, %dma_start3A_71] : memref<3x4x128x64xf32, #tpu.memory_space<vmem>> -> memref<1x1x128x64xf32, #tpu.memory_space<vmem>>
    %dma_start3A_73 = tpu.memref_squeeze %dma_start3A_72 : memref<1x1x128x64xf32, #tpu.memory_space<vmem>> -> memref<128x64xf32, #tpu.memory_space<vmem>>
    %dma_start3A_74 = arith.constant 0 : i32
    %dma_start3A_75 = tpu.memref_slice %arg5[%dma_start3A_67, %dma_start3A_74] : memref<200x128xi32, #tpu.memory_space<vmem>> -> memref<1x128xi32, #tpu.memory_space<vmem>>
    %dma_start3A_76 = tpu.memref_squeeze %dma_start3A_75 : memref<1x128xi32, #tpu.memory_space<vmem>> -> memref<128xi32, #tpu.memory_space<vmem>>
    %dma_start3A_77 = arith.constant 0 : i32
    %dma_start3A_78 = arith.constant 0 : i32
    %dma_start3A_79 = tpu.memref_slice %arg3[%dma_start3A_77, %dma_start3A_78] : memref<1000000x64xf32, #tpu.memory_space<hbm>> -> memref<1000000x64xf32, #tpu.memory_space<hbm>>
    tpu.enqueue_indirect_dma source(%dma_start3A_79 : memref<1000000x64xf32, #tpu.memory_space<hbm>>) target(%dma_start3A_73 : memref<128x64xf32, #tpu.memory_space<vmem>>) offsets(%dma_start3A_76 : memref<128xi32, #tpu.memory_space<vmem>>) semaphore(%arg8 : memref<!tpu.dma_semaphore, #tpu.memory_space<semaphore_mem>>)
    %dma_start3A_80 = arith.constant 6 : i32
    %dma_start3A_81 = arith.constant 1 : i32
    %dma_start3A_82 = arith.constant 2 : i32
    %dma_start3A_83 = arith.constant 0 : i32
    %dma_start3A_84 = arith.constant 0 : i32
    %dma_start3A_85 = tpu.memref_slice %arg6[%dma_start3A_81, %dma_start3A_82, %dma_start3A_83, %dma_start3A_84] : memref<3x4x128x64xf32, #tpu.memory_space<vmem>> -> memref<1x1x128x64xf32, #tpu.memory_space<vmem>>
    %dma_start3A_86 = tpu.memref_squeeze %dma_start3A_85 : memref<1x1x128x64xf32, #tpu.memory_space<vmem>> -> memref<128x64xf32, #tpu.memory_space<vmem>>
    %dma_start3A_87 = arith.constant 0 : i32
    %dma_start3A_88 = tpu.memref_slice %arg5[%dma_start3A_80, %dma_start3A_87] : memref<200x128xi32, #tpu.memory_space<vmem>> -> memref<1x128xi32, #tpu.memory_space<vmem>>
    %dma_start3A_89 = tpu.memref_squeeze %dma_start3A_88 : memref<1x128xi32, #tpu.memory_space<vmem>> -> memref<128xi32, #tpu.memory_space<vmem>>
    %dma_start3A_90 = arith.constant 0 : i32
    %dma_start3A_91 = arith.constant 0 : i32
    %dma_start3A_92 = tpu.memref_slice %arg3[%dma_start3A_90, %dma_start3A_91] : memref<1000000x64xf32, #tpu.memory_space<hbm>> -> memref<1000000x64xf32, #tpu.memory_space<hbm>>
    tpu.enqueue_indirect_dma source(%dma_start3A_92 : memref<1000000x64xf32, #tpu.memory_space<hbm>>) target(%dma_start3A_86 : memref<128x64xf32, #tpu.memory_space<vmem>>) offsets(%dma_start3A_89 : memref<128xi32, #tpu.memory_space<vmem>>) semaphore(%arg8 : memref<!tpu.dma_semaphore, #tpu.memory_space<semaphore_mem>>)
    %dma_start3A_93 = arith.constant 7 : i32
    %dma_start3A_94 = arith.constant 1 : i32
    %dma_start3A_95 = arith.constant 3 : i32
    %dma_start3A_96 = arith.constant 0 : i32
    %dma_start3A_97 = arith.constant 0 : i32
    %dma_start3A_98 = tpu.memref_slice %arg6[%dma_start3A_94, %dma_start3A_95, %dma_start3A_96, %dma_start3A_97] : memref<3x4x128x64xf32, #tpu.memory_space<vmem>> -> memref<1x1x128x64xf32, #tpu.memory_space<vmem>>
    %dma_start3A_99 = tpu.memref_squeeze %dma_start3A_98 : memref<1x1x128x64xf32, #tpu.memory_space<vmem>> -> memref<128x64xf32, #tpu.memory_space<vmem>>
    %dma_start3A_100 = arith.constant 0 : i32
    %dma_start3A_101 = tpu.memref_slice %arg5[%dma_start3A_93, %dma_start3A_100] : memref<200x128xi32, #tpu.memory_space<vmem>> -> memref<1x128xi32, #tpu.memory_space<vmem>>
    %dma_start3A_102 = tpu.memref_squeeze %dma_start3A_101 : memref<1x128xi32, #tpu.memory_space<vmem>> -> memref<128xi32, #tpu.memory_space<vmem>>
    %dma_start3A_103 = arith.constant 0 : i32
    %dma_start3A_104 = arith.constant 0 : i32
    %dma_start3A_105 = tpu.memref_slice %arg3[%dma_start3A_103, %dma_start3A_104] : memref<1000000x64xf32, #tpu.memory_space<hbm>> -> memref<1000000x64xf32, #tpu.memory_space<hbm>>
    tpu.enqueue_indirect_dma source(%dma_start3A_105 : memref<1000000x64xf32, #tpu.memory_space<hbm>>) target(%dma_start3A_99 : memref<128x64xf32, #tpu.memory_space<vmem>>) offsets(%dma_start3A_102 : memref<128xi32, #tpu.memory_space<vmem>>) semaphore(%arg8 : memref<!tpu.dma_semaphore, #tpu.memory_space<semaphore_mem>>)
    %dma_start3A_106 = arith.constant 8 : i32
    %dma_start3A_107 = arith.constant 2 : i32
    %dma_start3A_108 = arith.constant 0 : i32
    %dma_start3A_109 = arith.constant 0 : i32
    %dma_start3A_110 = arith.constant 0 : i32
    %dma_start3A_111 = tpu.memref_slice %arg6[%dma_start3A_107, %dma_start3A_108, %dma_start3A_109, %dma_start3A_110] : memref<3x4x128x64xf32, #tpu.memory_space<vmem>> -> memref<1x1x128x64xf32, #tpu.memory_space<vmem>>
    %dma_start3A_112 = tpu.memref_squeeze %dma_start3A_111 : memref<1x1x128x64xf32, #tpu.memory_space<vmem>> -> memref<128x64xf32, #tpu.memory_space<vmem>>
    %dma_start3A_113 = arith.constant 0 : i32
    %dma_start3A_114 = tpu.memref_slice %arg5[%dma_start3A_106, %dma_start3A_113] : memref<200x128xi32, #tpu.memory_space<vmem>> -> memref<1x128xi32, #tpu.memory_space<vmem>>
    %dma_start3A_115 = tpu.memref_squeeze %dma_start3A_114 : memref<1x128xi32, #tpu.memory_space<vmem>> -> memref<128xi32, #tpu.memory_space<vmem>>
    %dma_start3A_116 = arith.constant 0 : i32
    %dma_start3A_117 = arith.constant 0 : i32
    %dma_start3A_118 = tpu.memref_slice %arg3[%dma_start3A_116, %dma_start3A_117] : memref<1000000x64xf32, #tpu.memory_space<hbm>> -> memref<1000000x64xf32, #tpu.memory_space<hbm>>
    tpu.enqueue_indirect_dma source(%dma_start3A_118 : memref<1000000x64xf32, #tpu.memory_space<hbm>>) target(%dma_start3A_112 : memref<128x64xf32, #tpu.memory_space<vmem>>) offsets(%dma_start3A_115 : memref<128xi32, #tpu.memory_space<vmem>>) semaphore(%arg9 : memref<!tpu.dma_semaphore, #tpu.memory_space<semaphore_mem>>)
    %dma_start3A_119 = arith.constant 9 : i32
    %dma_start3A_120 = arith.constant 2 : i32
    %dma_start3A_121 = arith.constant 1 : i32
    %dma_start3A_122 = arith.constant 0 : i32
    %dma_start3A_123 = arith.constant 0 : i32
    %dma_start3A_124 = tpu.memref_slice %arg6[%dma_start3A_120, %dma_start3A_121, %dma_start3A_122, %dma_start3A_123] : memref<3x4x128x64xf32, #tpu.memory_space<vmem>> -> memref<1x1x128x64xf32, #tpu.memory_space<vmem>>
    %dma_start3A_125 = tpu.memref_squeeze %dma_start3A_124 : memref<1x1x128x64xf32, #tpu.memory_space<vmem>> -> memref<128x64xf32, #tpu.memory_space<vmem>>
    %dma_start3A_126 = arith.constant 0 : i32
    %dma_start3A_127 = tpu.memref_slice %arg5[%dma_start3A_119, %dma_start3A_126] : memref<200x128xi32, #tpu.memory_space<vmem>> -> memref<1x128xi32, #tpu.memory_space<vmem>>
    %dma_start3A_128 = tpu.memref_squeeze %dma_start3A_127 : memref<1x128xi32, #tpu.memory_space<vmem>> -> memref<128xi32, #tpu.memory_space<vmem>>
    %dma_start3A_129 = arith.constant 0 : i32
    %dma_start3A_130 = arith.constant 0 : i32
    %dma_start3A_131 = tpu.memref_slice %arg3[%dma_start3A_129, %dma_start3A_130] : memref<1000000x64xf32, #tpu.memory_space<hbm>> -> memref<1000000x64xf32, #tpu.memory_space<hbm>>
    tpu.enqueue_indirect_dma source(%dma_start3A_131 : memref<1000000x64xf32, #tpu.memory_space<hbm>>) target(%dma_start3A_125 : memref<128x64xf32, #tpu.memory_space<vmem>>) offsets(%dma_start3A_128 : memref<128xi32, #tpu.memory_space<vmem>>) semaphore(%arg9 : memref<!tpu.dma_semaphore, #tpu.memory_space<semaphore_mem>>)
    %dma_start3A_132 = arith.constant 10 : i32
    %dma_start3A_133 = arith.constant 2 : i32
    %dma_start3A_134 = arith.constant 2 : i32
    %dma_start3A_135 = arith.constant 0 : i32
    %dma_start3A_136 = arith.constant 0 : i32
    %dma_start3A_137 = tpu.memref_slice %arg6[%dma_start3A_133, %dma_start3A_134, %dma_start3A_135, %dma_start3A_136] : memref<3x4x128x64xf32, #tpu.memory_space<vmem>> -> memref<1x1x128x64xf32, #tpu.memory_space<vmem>>
    %dma_start3A_138 = tpu.memref_squeeze %dma_start3A_137 : memref<1x1x128x64xf32, #tpu.memory_space<vmem>> -> memref<128x64xf32, #tpu.memory_space<vmem>>
    %dma_start3A_139 = arith.constant 0 : i32
    %dma_start3A_140 = tpu.memref_slice %arg5[%dma_start3A_132, %dma_start3A_139] : memref<200x128xi32, #tpu.memory_space<vmem>> -> memref<1x128xi32, #tpu.memory_space<vmem>>
    %dma_start3A_141 = tpu.memref_squeeze %dma_start3A_140 : memref<1x128xi32, #tpu.memory_space<vmem>> -> memref<128xi32, #tpu.memory_space<vmem>>
    %dma_start3A_142 = arith.constant 0 : i32
    %dma_start3A_143 = arith.constant 0 : i32
    %dma_start3A_144 = tpu.memref_slice %arg3[%dma_start3A_142, %dma_start3A_143] : memref<1000000x64xf32, #tpu.memory_space<hbm>> -> memref<1000000x64xf32, #tpu.memory_space<hbm>>
    tpu.enqueue_indirect_dma source(%dma_start3A_144 : memref<1000000x64xf32, #tpu.memory_space<hbm>>) target(%dma_start3A_138 : memref<128x64xf32, #tpu.memory_space<vmem>>) offsets(%dma_start3A_141 : memref<128xi32, #tpu.memory_space<vmem>>) semaphore(%arg9 : memref<!tpu.dma_semaphore, #tpu.memory_space<semaphore_mem>>)
    %dma_start3A_145 = arith.constant 11 : i32
    %dma_start3A_146 = arith.constant 2 : i32
    %dma_start3A_147 = arith.constant 3 : i32
    %dma_start3A_148 = arith.constant 0 : i32
    %dma_start3A_149 = arith.constant 0 : i32
    %dma_start3A_150 = tpu.memref_slice %arg6[%dma_start3A_146, %dma_start3A_147, %dma_start3A_148, %dma_start3A_149] : memref<3x4x128x64xf32, #tpu.memory_space<vmem>> -> memref<1x1x128x64xf32, #tpu.memory_space<vmem>>
    %dma_start3A_151 = tpu.memref_squeeze %dma_start3A_150 : memref<1x1x128x64xf32, #tpu.memory_space<vmem>> -> memref<128x64xf32, #tpu.memory_space<vmem>>
    %dma_start3A_152 = arith.constant 0 : i32
    %dma_start3A_153 = tpu.memref_slice %arg5[%dma_start3A_145, %dma_start3A_152] : memref<200x128xi32, #tpu.memory_space<vmem>> -> memref<1x128xi32, #tpu.memory_space<vmem>>
    %dma_start3A_154 = tpu.memref_squeeze %dma_start3A_153 : memref<1x128xi32, #tpu.memory_space<vmem>> -> memref<128xi32, #tpu.memory_space<vmem>>
    %dma_start3A_155 = arith.constant 0 : i32
    %dma_start3A_156 = arith.constant 0 : i32
    %dma_start3A_157 = tpu.memref_slice %arg3[%dma_start3A_155, %dma_start3A_156] : memref<1000000x64xf32, #tpu.memory_space<hbm>> -> memref<1000000x64xf32, #tpu.memory_space<hbm>>
    tpu.enqueue_indirect_dma source(%dma_start3A_157 : memref<1000000x64xf32, #tpu.memory_space<hbm>>) target(%dma_start3A_151 : memref<128x64xf32, #tpu.memory_space<vmem>>) offsets(%dma_start3A_154 : memref<128xi32, #tpu.memory_space<vmem>>) semaphore(%arg9 : memref<!tpu.dma_semaphore, #tpu.memory_space<semaphore_mem>>)
    %scan3A = arith.constant 0 : i32
    %scan3A_158 = arith.constant 16 : i32
    %scan3A_159 = arith.addi %scan3A, %scan3A_158 : i32
    %scan3A_160 = arith.constant 1 : i32
    scf.for %scan3A_364 = %scan3A to %scan3A_159 step %scan3A_160  : i32 {
      %mul3A_365 = arith.constant 1 : i32
      %mul3A_366 = arith.muli %scan3A_364, %mul3A_365 : i32
      %add3A_367 = arith.constant 0 : i32
      %add3A_368 = arith.addi %add3A_367, %mul3A_366 : i32
      %mul3A_369 = arith.constant 3 : i32
      %mul3A_370 = arith.muli %add3A_368, %mul3A_369 : i32
      %dma_wait3A_371 = arith.constant 0 : i32
      %dma_wait3A_372 = arith.constant 0 : i32
      %dma_wait3A_373 = arith.constant 0 : i32
      %dma_wait3A_374 = arith.constant 0 : i32
      %dma_wait3A_375 = arith.constant 0 : i32
      %dma_wait3A_376 = tpu.memref_slice %arg6[%dma_wait3A_372, %dma_wait3A_373, %dma_wait3A_374, %dma_wait3A_375] : memref<3x4x128x64xf32, #tpu.memory_space<vmem>> -> memref<1x1x128x64xf32, #tpu.memory_space<vmem>>
      %dma_wait3A_377 = tpu.memref_squeeze %dma_wait3A_376 : memref<1x1x128x64xf32, #tpu.memory_space<vmem>> -> memref<128x64xf32, #tpu.memory_space<vmem>>
      %dma_wait3A_378 = arith.constant 0 : i32
      %dma_wait3A_379 = tpu.memref_slice %arg5[%dma_wait3A_371, %dma_wait3A_378] : memref<200x128xi32, #tpu.memory_space<vmem>> -> memref<1x128xi32, #tpu.memory_space<vmem>>
      %dma_wait3A_380 = tpu.memref_squeeze %dma_wait3A_379 : memref<1x128xi32, #tpu.memory_space<vmem>> -> memref<128xi32, #tpu.memory_space<vmem>>
      %dma_wait3A_381 = arith.constant 0 : i32
      %dma_wait3A_382 = arith.constant 0 : i32
      %dma_wait3A_383 = tpu.memref_slice %arg3[%dma_wait3A_381, %dma_wait3A_382] : memref<1000000x64xf32, #tpu.memory_space<hbm>> -> memref<1000000x64xf32, #tpu.memory_space<hbm>>
      tpu.wait_indirect_dma semaphore(%arg7 : memref<!tpu.dma_semaphore, #tpu.memory_space<semaphore_mem>>) src(%dma_wait3A_383 : memref<1000000x64xf32, #tpu.memory_space<hbm>>) dst(%dma_wait3A_377 : memref<128x64xf32, #tpu.memory_space<vmem>>)
      %dma_wait3A_384 = arith.constant 0 : i32
      %dma_wait3A_385 = arith.constant 0 : i32
      %dma_wait3A_386 = arith.constant 1 : i32
      %dma_wait3A_387 = arith.constant 0 : i32
      %dma_wait3A_388 = arith.constant 0 : i32
      %dma_wait3A_389 = tpu.memref_slice %arg6[%dma_wait3A_385, %dma_wait3A_386, %dma_wait3A_387, %dma_wait3A_388] : memref<3x4x128x64xf32, #tpu.memory_space<vmem>> -> memref<1x1x128x64xf32, #tpu.memory_space<vmem>>
      %dma_wait3A_390 = tpu.memref_squeeze %dma_wait3A_389 : memref<1x1x128x64xf32, #tpu.memory_space<vmem>> -> memref<128x64xf32, #tpu.memory_space<vmem>>
      %dma_wait3A_391 = arith.constant 0 : i32
      %dma_wait3A_392 = tpu.memref_slice %arg5[%dma_wait3A_384, %dma_wait3A_391] : memref<200x128xi32, #tpu.memory_space<vmem>> -> memref<1x128xi32, #tpu.memory_space<vmem>>
      %dma_wait3A_393 = tpu.memref_squeeze %dma_wait3A_392 : memref<1x128xi32, #tpu.memory_space<vmem>> -> memref<128xi32, #tpu.memory_space<vmem>>
      %dma_wait3A_394 = arith.constant 0 : i32
      %dma_wait3A_395 = arith.constant 0 : i32
      %dma_wait3A_396 = tpu.memref_slice %arg3[%dma_wait3A_394, %dma_wait3A_395] : memref<1000000x64xf32, #tpu.memory_space<hbm>> -> memref<1000000x64xf32, #tpu.memory_space<hbm>>
      tpu.wait_indirect_dma semaphore(%arg7 : memref<!tpu.dma_semaphore, #tpu.memory_space<semaphore_mem>>) src(%dma_wait3A_396 : memref<1000000x64xf32, #tpu.memory_space<hbm>>) dst(%dma_wait3A_390 : memref<128x64xf32, #tpu.memory_space<vmem>>)
      %dma_wait3A_397 = arith.constant 0 : i32
      %dma_wait3A_398 = arith.constant 0 : i32
      %dma_wait3A_399 = arith.constant 2 : i32
      %dma_wait3A_400 = arith.constant 0 : i32
      %dma_wait3A_401 = arith.constant 0 : i32
      %dma_wait3A_402 = tpu.memref_slice %arg6[%dma_wait3A_398, %dma_wait3A_399, %dma_wait3A_400, %dma_wait3A_401] : memref<3x4x128x64xf32, #tpu.memory_space<vmem>> -> memref<1x1x128x64xf32, #tpu.memory_space<vmem>>
      %dma_wait3A_403 = tpu.memref_squeeze %dma_wait3A_402 : memref<1x1x128x64xf32, #tpu.memory_space<vmem>> -> memref<128x64xf32, #tpu.memory_space<vmem>>
      %dma_wait3A_404 = arith.constant 0 : i32
      %dma_wait3A_405 = tpu.memref_slice %arg5[%dma_wait3A_397, %dma_wait3A_404] : memref<200x128xi32, #tpu.memory_space<vmem>> -> memref<1x128xi32, #tpu.memory_space<vmem>>
      %dma_wait3A_406 = tpu.memref_squeeze %dma_wait3A_405 : memref<1x128xi32, #tpu.memory_space<vmem>> -> memref<128xi32, #tpu.memory_space<vmem>>
      %dma_wait3A_407 = arith.constant 0 : i32
      %dma_wait3A_408 = arith.constant 0 : i32
      %dma_wait3A_409 = tpu.memref_slice %arg3[%dma_wait3A_407, %dma_wait3A_408] : memref<1000000x64xf32, #tpu.memory_space<hbm>> -> memref<1000000x64xf32, #tpu.memory_space<hbm>>
      tpu.wait_indirect_dma semaphore(%arg7 : memref<!tpu.dma_semaphore, #tpu.memory_space<semaphore_mem>>) src(%dma_wait3A_409 : memref<1000000x64xf32, #tpu.memory_space<hbm>>) dst(%dma_wait3A_403 : memref<128x64xf32, #tpu.memory_space<vmem>>)
      %dma_wait3A_410 = arith.constant 0 : i32
      %dma_wait3A_411 = arith.constant 0 : i32
      %dma_wait3A_412 = arith.constant 3 : i32
      %dma_wait3A_413 = arith.constant 0 : i32
      %dma_wait3A_414 = arith.constant 0 : i32
      %dma_wait3A_415 = tpu.memref_slice %arg6[%dma_wait3A_411, %dma_wait3A_412, %dma_wait3A_413, %dma_wait3A_414] : memref<3x4x128x64xf32, #tpu.memory_space<vmem>> -> memref<1x1x128x64xf32, #tpu.memory_space<vmem>>
      %dma_wait3A_416 = tpu.memref_squeeze %dma_wait3A_415 : memref<1x1x128x64xf32, #tpu.memory_space<vmem>> -> memref<128x64xf32, #tpu.memory_space<vmem>>
      %dma_wait3A_417 = arith.constant 0 : i32
      %dma_wait3A_418 = tpu.memref_slice %arg5[%dma_wait3A_410, %dma_wait3A_417] : memref<200x128xi32, #tpu.memory_space<vmem>> -> memref<1x128xi32, #tpu.memory_space<vmem>>
      %dma_wait3A_419 = tpu.memref_squeeze %dma_wait3A_418 : memref<1x128xi32, #tpu.memory_space<vmem>> -> memref<128xi32, #tpu.memory_space<vmem>>
      %dma_wait3A_420 = arith.constant 0 : i32
      %dma_wait3A_421 = arith.constant 0 : i32
      %dma_wait3A_422 = tpu.memref_slice %arg3[%dma_wait3A_420, %dma_wait3A_421] : memref<1000000x64xf32, #tpu.memory_space<hbm>> -> memref<1000000x64xf32, #tpu.memory_space<hbm>>
      tpu.wait_indirect_dma semaphore(%arg7 : memref<!tpu.dma_semaphore, #tpu.memory_space<semaphore_mem>>) src(%dma_wait3A_422 : memref<1000000x64xf32, #tpu.memory_space<hbm>>) dst(%dma_wait3A_416 : memref<128x64xf32, #tpu.memory_space<vmem>>)
      %add3A_423 = arith.constant 0 : i32
      %add3A_424 = arith.addi %mul3A_370, %add3A_423 : i32
      %mul3A_425 = arith.constant 200 : i32
      %mul3A_426 = arith.muli %add3A, %mul3A_425 : i32
      %mul3A_427 = arith.constant 4 : i32
      %mul3A_428 = arith.muli %add3A_424, %mul3A_427 : i32
      %add3A_429 = arith.addi %mul3A_426, %mul3A_428 : i32
      %dma_start3A_430 = arith.constant 0 : i32
      %dma_start3A_431 = arith.constant 0 : i32
      %dma_start3A_432 = arith.constant 0 : i32
      %dma_start3A_433 = arith.constant 0 : i32
      %dma_start3A_434 = tpu.memref_slice %arg6[%dma_start3A_430, %dma_start3A_431, %dma_start3A_432, %dma_start3A_433] : memref<3x4x128x64xf32, #tpu.memory_space<vmem>> -> memref<1x4x128x64xf32, #tpu.memory_space<vmem>>
      %dma_start3A_435 = tpu.memref_squeeze %dma_start3A_434 : memref<1x4x128x64xf32, #tpu.memory_space<vmem>> -> memref<4x128x64xf32, #tpu.memory_space<vmem>>
      %dma_start3A_436 = arith.constant 0 : i32
      %dma_start3A_437 = arith.constant 0 : i32
      %dma_start3A_438 = tpu.memref_slice %arg4[%add3A_429, %dma_start3A_436, %dma_start3A_437] : memref<6400x128x64xf32, #tpu.memory_space<hbm>> -> memref<4x128x64xf32, #tpu.memory_space<hbm>>
      %dma_start3A_439 = arith.constant 0 : i32
      %dma_start3A_440 = arith.constant 0 : i32
      %dma_start3A_441 = tpu.memref_slice %arg4[%add3A_429, %dma_start3A_439, %dma_start3A_440] : memref<6400x128x64xf32, #tpu.memory_space<hbm>> -> memref<4x128x64xf32, #tpu.memory_space<hbm>>
      %dma_start3A_442 = arith.constant 0 : i32
      %dma_start3A_443 = arith.constant 0 : i32
      %dma_start3A_444 = arith.constant 0 : i32
      %dma_start3A_445 = tpu.memref_slice %arg6[%dma_start3A_430, %dma_start3A_442, %dma_start3A_443, %dma_start3A_444] : memref<3x4x128x64xf32, #tpu.memory_space<vmem>> -> memref<1x4x128x64xf32, #tpu.memory_space<vmem>>
      %dma_start3A_446 = tpu.memref_squeeze %dma_start3A_445 : memref<1x4x128x64xf32, #tpu.memory_space<vmem>> -> memref<4x128x64xf32, #tpu.memory_space<vmem>>
      tpu.enqueue_dma source(%dma_start3A_446 : memref<4x128x64xf32, #tpu.memory_space<vmem>>) target(%dma_start3A_441 : memref<4x128x64xf32, #tpu.memory_space<hbm>>) target_semaphore(%arg10 : memref<!tpu.dma_semaphore, #tpu.memory_space<semaphore_mem>>)
      %dma_wait3A_447 = arith.constant 0 : i32
      %dma_wait3A_448 = arith.constant 1 : i32
      %dma_wait3A_449 = arith.constant 0 : i32
      %dma_wait3A_450 = arith.constant 0 : i32
      %dma_wait3A_451 = arith.constant 0 : i32
      %dma_wait3A_452 = tpu.memref_slice %arg6[%dma_wait3A_448, %dma_wait3A_449, %dma_wait3A_450, %dma_wait3A_451] : memref<3x4x128x64xf32, #tpu.memory_space<vmem>> -> memref<1x1x128x64xf32, #tpu.memory_space<vmem>>
      %dma_wait3A_453 = tpu.memref_squeeze %dma_wait3A_452 : memref<1x1x128x64xf32, #tpu.memory_space<vmem>> -> memref<128x64xf32, #tpu.memory_space<vmem>>
      %dma_wait3A_454 = arith.constant 0 : i32
      %dma_wait3A_455 = tpu.memref_slice %arg5[%dma_wait3A_447, %dma_wait3A_454] : memref<200x128xi32, #tpu.memory_space<vmem>> -> memref<1x128xi32, #tpu.memory_space<vmem>>
      %dma_wait3A_456 = tpu.memref_squeeze %dma_wait3A_455 : memref<1x128xi32, #tpu.memory_space<vmem>> -> memref<128xi32, #tpu.memory_space<vmem>>
      %dma_wait3A_457 = arith.constant 0 : i32
      %dma_wait3A_458 = arith.constant 0 : i32
      %dma_wait3A_459 = tpu.memref_slice %arg3[%dma_wait3A_457, %dma_wait3A_458] : memref<1000000x64xf32, #tpu.memory_space<hbm>> -> memref<1000000x64xf32, #tpu.memory_space<hbm>>
      tpu.wait_indirect_dma semaphore(%arg8 : memref<!tpu.dma_semaphore, #tpu.memory_space<semaphore_mem>>) src(%dma_wait3A_459 : memref<1000000x64xf32, #tpu.memory_space<hbm>>) dst(%dma_wait3A_453 : memref<128x64xf32, #tpu.memory_space<vmem>>)
      %dma_wait3A_460 = arith.constant 0 : i32
      %dma_wait3A_461 = arith.constant 1 : i32
      %dma_wait3A_462 = arith.constant 1 : i32
      %dma_wait3A_463 = arith.constant 0 : i32
      %dma_wait3A_464 = arith.constant 0 : i32
      %dma_wait3A_465 = tpu.memref_slice %arg6[%dma_wait3A_461, %dma_wait3A_462, %dma_wait3A_463, %dma_wait3A_464] : memref<3x4x128x64xf32, #tpu.memory_space<vmem>> -> memref<1x1x128x64xf32, #tpu.memory_space<vmem>>
      %dma_wait3A_466 = tpu.memref_squeeze %dma_wait3A_465 : memref<1x1x128x64xf32, #tpu.memory_space<vmem>> -> memref<128x64xf32, #tpu.memory_space<vmem>>
      %dma_wait3A_467 = arith.constant 0 : i32
      %dma_wait3A_468 = tpu.memref_slice %arg5[%dma_wait3A_460, %dma_wait3A_467] : memref<200x128xi32, #tpu.memory_space<vmem>> -> memref<1x128xi32, #tpu.memory_space<vmem>>
      %dma_wait3A_469 = tpu.memref_squeeze %dma_wait3A_468 : memref<1x128xi32, #tpu.memory_space<vmem>> -> memref<128xi32, #tpu.memory_space<vmem>>
      %dma_wait3A_470 = arith.constant 0 : i32
      %dma_wait3A_471 = arith.constant 0 : i32
      %dma_wait3A_472 = tpu.memref_slice %arg3[%dma_wait3A_470, %dma_wait3A_471] : memref<1000000x64xf32, #tpu.memory_space<hbm>> -> memref<1000000x64xf32, #tpu.memory_space<hbm>>
      tpu.wait_indirect_dma semaphore(%arg8 : memref<!tpu.dma_semaphore, #tpu.memory_space<semaphore_mem>>) src(%dma_wait3A_472 : memref<1000000x64xf32, #tpu.memory_space<hbm>>) dst(%dma_wait3A_466 : memref<128x64xf32, #tpu.memory_space<vmem>>)
      %dma_wait3A_473 = arith.constant 0 : i32
      %dma_wait3A_474 = arith.constant 1 : i32
      %dma_wait3A_475 = arith.constant 2 : i32
      %dma_wait3A_476 = arith.constant 0 : i32
      %dma_wait3A_477 = arith.constant 0 : i32
      %dma_wait3A_478 = tpu.memref_slice %arg6[%dma_wait3A_474, %dma_wait3A_475, %dma_wait3A_476, %dma_wait3A_477] : memref<3x4x128x64xf32, #tpu.memory_space<vmem>> -> memref<1x1x128x64xf32, #tpu.memory_space<vmem>>
      %dma_wait3A_479 = tpu.memref_squeeze %dma_wait3A_478 : memref<1x1x128x64xf32, #tpu.memory_space<vmem>> -> memref<128x64xf32, #tpu.memory_space<vmem>>
      %dma_wait3A_480 = arith.constant 0 : i32
      %dma_wait3A_481 = tpu.memref_slice %arg5[%dma_wait3A_473, %dma_wait3A_480] : memref<200x128xi32, #tpu.memory_space<vmem>> -> memref<1x128xi32, #tpu.memory_space<vmem>>
      %dma_wait3A_482 = tpu.memref_squeeze %dma_wait3A_481 : memref<1x128xi32, #tpu.memory_space<vmem>> -> memref<128xi32, #tpu.memory_space<vmem>>
      %dma_wait3A_483 = arith.constant 0 : i32
      %dma_wait3A_484 = arith.constant 0 : i32
      %dma_wait3A_485 = tpu.memref_slice %arg3[%dma_wait3A_483, %dma_wait3A_484] : memref<1000000x64xf32, #tpu.memory_space<hbm>> -> memref<1000000x64xf32, #tpu.memory_space<hbm>>
      tpu.wait_indirect_dma semaphore(%arg8 : memref<!tpu.dma_semaphore, #tpu.memory_space<semaphore_mem>>) src(%dma_wait3A_485 : memref<1000000x64xf32, #tpu.memory_space<hbm>>) dst(%dma_wait3A_479 : memref<128x64xf32, #tpu.memory_space<vmem>>)
      %dma_wait3A_486 = arith.constant 0 : i32
      %dma_wait3A_487 = arith.constant 1 : i32
      %dma_wait3A_488 = arith.constant 3 : i32
      %dma_wait3A_489 = arith.constant 0 : i32
      %dma_wait3A_490 = arith.constant 0 : i32
      %dma_wait3A_491 = tpu.memref_slice %arg6[%dma_wait3A_487, %dma_wait3A_488, %dma_wait3A_489, %dma_wait3A_490] : memref<3x4x128x64xf32, #tpu.memory_space<vmem>> -> memref<1x1x128x64xf32, #tpu.memory_space<vmem>>
      %dma_wait3A_492 = tpu.memref_squeeze %dma_wait3A_491 : memref<1x1x128x64xf32, #tpu.memory_space<vmem>> -> memref<128x64xf32, #tpu.memory_space<vmem>>
      %dma_wait3A_493 = arith.constant 0 : i32
      %dma_wait3A_494 = tpu.memref_slice %arg5[%dma_wait3A_486, %dma_wait3A_493] : memref<200x128xi32, #tpu.memory_space<vmem>> -> memref<1x128xi32, #tpu.memory_space<vmem>>
      %dma_wait3A_495 = tpu.memref_squeeze %dma_wait3A_494 : memref<1x128xi32, #tpu.memory_space<vmem>> -> memref<128xi32, #tpu.memory_space<vmem>>
      %dma_wait3A_496 = arith.constant 0 : i32
      %dma_wait3A_497 = arith.constant 0 : i32
      %dma_wait3A_498 = tpu.memref_slice %arg3[%dma_wait3A_496, %dma_wait3A_497] : memref<1000000x64xf32, #tpu.memory_space<hbm>> -> memref<1000000x64xf32, #tpu.memory_space<hbm>>
      tpu.wait_indirect_dma semaphore(%arg8 : memref<!tpu.dma_semaphore, #tpu.memory_space<semaphore_mem>>) src(%dma_wait3A_498 : memref<1000000x64xf32, #tpu.memory_space<hbm>>) dst(%dma_wait3A_492 : memref<128x64xf32, #tpu.memory_space<vmem>>)
      %add3A_499 = arith.constant 1 : i32
      %add3A_500 = arith.addi %mul3A_370, %add3A_499 : i32
      %mul3A_501 = arith.constant 200 : i32
      %mul3A_502 = arith.muli %add3A, %mul3A_501 : i32
      %mul3A_503 = arith.constant 4 : i32
      %mul3A_504 = arith.muli %add3A_500, %mul3A_503 : i32
      %add3A_505 = arith.addi %mul3A_502, %mul3A_504 : i32
      %dma_start3A_506 = arith.constant 1 : i32
      %dma_start3A_507 = arith.constant 0 : i32
      %dma_start3A_508 = arith.constant 0 : i32
      %dma_start3A_509 = arith.constant 0 : i32
      %dma_start3A_510 = tpu.memref_slice %arg6[%dma_start3A_506, %dma_start3A_507, %dma_start3A_508, %dma_start3A_509] : memref<3x4x128x64xf32, #tpu.memory_space<vmem>> -> memref<1x4x128x64xf32, #tpu.memory_space<vmem>>
      %dma_start3A_511 = tpu.memref_squeeze %dma_start3A_510 : memref<1x4x128x64xf32, #tpu.memory_space<vmem>> -> memref<4x128x64xf32, #tpu.memory_space<vmem>>
      %dma_start3A_512 = arith.constant 0 : i32
      %dma_start3A_513 = arith.constant 0 : i32
      %dma_start3A_514 = tpu.memref_slice %arg4[%add3A_505, %dma_start3A_512, %dma_start3A_513] : memref<6400x128x64xf32, #tpu.memory_space<hbm>> -> memref<4x128x64xf32, #tpu.memory_space<hbm>>
      %dma_start3A_515 = arith.constant 0 : i32
      %dma_start3A_516 = arith.constant 0 : i32
      %dma_start3A_517 = tpu.memref_slice %arg4[%add3A_505, %dma_start3A_515, %dma_start3A_516] : memref<6400x128x64xf32, #tpu.memory_space<hbm>> -> memref<4x128x64xf32, #tpu.memory_space<hbm>>
      %dma_start3A_518 = arith.constant 0 : i32
      %dma_start3A_519 = arith.constant 0 : i32
      %dma_start3A_520 = arith.constant 0 : i32
      %dma_start3A_521 = tpu.memref_slice %arg6[%dma_start3A_506, %dma_start3A_518, %dma_start3A_519, %dma_start3A_520] : memref<3x4x128x64xf32, #tpu.memory_space<vmem>> -> memref<1x4x128x64xf32, #tpu.memory_space<vmem>>
      %dma_start3A_522 = tpu.memref_squeeze %dma_start3A_521 : memref<1x4x128x64xf32, #tpu.memory_space<vmem>> -> memref<4x128x64xf32, #tpu.memory_space<vmem>>
      tpu.enqueue_dma source(%dma_start3A_522 : memref<4x128x64xf32, #tpu.memory_space<vmem>>) target(%dma_start3A_517 : memref<4x128x64xf32, #tpu.memory_space<hbm>>) target_semaphore(%arg11 : memref<!tpu.dma_semaphore, #tpu.memory_space<semaphore_mem>>)
      %dma_wait3A_523 = arith.constant 0 : i32
      %dma_wait3A_524 = arith.constant 2 : i32
      %dma_wait3A_525 = arith.constant 0 : i32
      %dma_wait3A_526 = arith.constant 0 : i32
      %dma_wait3A_527 = arith.constant 0 : i32
      %dma_wait3A_528 = tpu.memref_slice %arg6[%dma_wait3A_524, %dma_wait3A_525, %dma_wait3A_526, %dma_wait3A_527] : memref<3x4x128x64xf32, #tpu.memory_space<vmem>> -> memref<1x1x128x64xf32, #tpu.memory_space<vmem>>
      %dma_wait3A_529 = tpu.memref_squeeze %dma_wait3A_528 : memref<1x1x128x64xf32, #tpu.memory_space<vmem>> -> memref<128x64xf32, #tpu.memory_space<vmem>>
      %dma_wait3A_530 = arith.constant 0 : i32
      %dma_wait3A_531 = tpu.memref_slice %arg5[%dma_wait3A_523, %dma_wait3A_530] : memref<200x128xi32, #tpu.memory_space<vmem>> -> memref<1x128xi32, #tpu.memory_space<vmem>>
      %dma_wait3A_532 = tpu.memref_squeeze %dma_wait3A_531 : memref<1x128xi32, #tpu.memory_space<vmem>> -> memref<128xi32, #tpu.memory_space<vmem>>
      %dma_wait3A_533 = arith.constant 0 : i32
      %dma_wait3A_534 = arith.constant 0 : i32
      %dma_wait3A_535 = tpu.memref_slice %arg3[%dma_wait3A_533, %dma_wait3A_534] : memref<1000000x64xf32, #tpu.memory_space<hbm>> -> memref<1000000x64xf32, #tpu.memory_space<hbm>>
      tpu.wait_indirect_dma semaphore(%arg9 : memref<!tpu.dma_semaphore, #tpu.memory_space<semaphore_mem>>) src(%dma_wait3A_535 : memref<1000000x64xf32, #tpu.memory_space<hbm>>) dst(%dma_wait3A_529 : memref<128x64xf32, #tpu.memory_space<vmem>>)
      %dma_wait3A_536 = arith.constant 0 : i32
      %dma_wait3A_537 = arith.constant 2 : i32
      %dma_wait3A_538 = arith.constant 1 : i32
      %dma_wait3A_539 = arith.constant 0 : i32
      %dma_wait3A_540 = arith.constant 0 : i32
      %dma_wait3A_541 = tpu.memref_slice %arg6[%dma_wait3A_537, %dma_wait3A_538, %dma_wait3A_539, %dma_wait3A_540] : memref<3x4x128x64xf32, #tpu.memory_space<vmem>> -> memref<1x1x128x64xf32, #tpu.memory_space<vmem>>
      %dma_wait3A_542 = tpu.memref_squeeze %dma_wait3A_541 : memref<1x1x128x64xf32, #tpu.memory_space<vmem>> -> memref<128x64xf32, #tpu.memory_space<vmem>>
      %dma_wait3A_543 = arith.constant 0 : i32
      %dma_wait3A_544 = tpu.memref_slice %arg5[%dma_wait3A_536, %dma_wait3A_543] : memref<200x128xi32, #tpu.memory_space<vmem>> -> memref<1x128xi32, #tpu.memory_space<vmem>>
      %dma_wait3A_545 = tpu.memref_squeeze %dma_wait3A_544 : memref<1x128xi32, #tpu.memory_space<vmem>> -> memref<128xi32, #tpu.memory_space<vmem>>
      %dma_wait3A_546 = arith.constant 0 : i32
      %dma_wait3A_547 = arith.constant 0 : i32
      %dma_wait3A_548 = tpu.memref_slice %arg3[%dma_wait3A_546, %dma_wait3A_547] : memref<1000000x64xf32, #tpu.memory_space<hbm>> -> memref<1000000x64xf32, #tpu.memory_space<hbm>>
      tpu.wait_indirect_dma semaphore(%arg9 : memref<!tpu.dma_semaphore, #tpu.memory_space<semaphore_mem>>) src(%dma_wait3A_548 : memref<1000000x64xf32, #tpu.memory_space<hbm>>) dst(%dma_wait3A_542 : memref<128x64xf32, #tpu.memory_space<vmem>>)
      %dma_wait3A_549 = arith.constant 0 : i32
      %dma_wait3A_550 = arith.constant 2 : i32
      %dma_wait3A_551 = arith.constant 2 : i32
      %dma_wait3A_552 = arith.constant 0 : i32
      %dma_wait3A_553 = arith.constant 0 : i32
      %dma_wait3A_554 = tpu.memref_slice %arg6[%dma_wait3A_550, %dma_wait3A_551, %dma_wait3A_552, %dma_wait3A_553] : memref<3x4x128x64xf32, #tpu.memory_space<vmem>> -> memref<1x1x128x64xf32, #tpu.memory_space<vmem>>
      %dma_wait3A_555 = tpu.memref_squeeze %dma_wait3A_554 : memref<1x1x128x64xf32, #tpu.memory_space<vmem>> -> memref<128x64xf32, #tpu.memory_space<vmem>>
      %dma_wait3A_556 = arith.constant 0 : i32
      %dma_wait3A_557 = tpu.memref_slice %arg5[%dma_wait3A_549, %dma_wait3A_556] : memref<200x128xi32, #tpu.memory_space<vmem>> -> memref<1x128xi32, #tpu.memory_space<vmem>>
      %dma_wait3A_558 = tpu.memref_squeeze %dma_wait3A_557 : memref<1x128xi32, #tpu.memory_space<vmem>> -> memref<128xi32, #tpu.memory_space<vmem>>
      %dma_wait3A_559 = arith.constant 0 : i32
      %dma_wait3A_560 = arith.constant 0 : i32
      %dma_wait3A_561 = tpu.memref_slice %arg3[%dma_wait3A_559, %dma_wait3A_560] : memref<1000000x64xf32, #tpu.memory_space<hbm>> -> memref<1000000x64xf32, #tpu.memory_space<hbm>>
      tpu.wait_indirect_dma semaphore(%arg9 : memref<!tpu.dma_semaphore, #tpu.memory_space<semaphore_mem>>) src(%dma_wait3A_561 : memref<1000000x64xf32, #tpu.memory_space<hbm>>) dst(%dma_wait3A_555 : memref<128x64xf32, #tpu.memory_space<vmem>>)
      %dma_wait3A_562 = arith.constant 0 : i32
      %dma_wait3A_563 = arith.constant 2 : i32
      %dma_wait3A_564 = arith.constant 3 : i32
      %dma_wait3A_565 = arith.constant 0 : i32
      %dma_wait3A_566 = arith.constant 0 : i32
      %dma_wait3A_567 = tpu.memref_slice %arg6[%dma_wait3A_563, %dma_wait3A_564, %dma_wait3A_565, %dma_wait3A_566] : memref<3x4x128x64xf32, #tpu.memory_space<vmem>> -> memref<1x1x128x64xf32, #tpu.memory_space<vmem>>
      %dma_wait3A_568 = tpu.memref_squeeze %dma_wait3A_567 : memref<1x1x128x64xf32, #tpu.memory_space<vmem>> -> memref<128x64xf32, #tpu.memory_space<vmem>>
      %dma_wait3A_569 = arith.constant 0 : i32
      %dma_wait3A_570 = tpu.memref_slice %arg5[%dma_wait3A_562, %dma_wait3A_569] : memref<200x128xi32, #tpu.memory_space<vmem>> -> memref<1x128xi32, #tpu.memory_space<vmem>>
      %dma_wait3A_571 = tpu.memref_squeeze %dma_wait3A_570 : memref<1x128xi32, #tpu.memory_space<vmem>> -> memref<128xi32, #tpu.memory_space<vmem>>
      %dma_wait3A_572 = arith.constant 0 : i32
      %dma_wait3A_573 = arith.constant 0 : i32
      %dma_wait3A_574 = tpu.memref_slice %arg3[%dma_wait3A_572, %dma_wait3A_573] : memref<1000000x64xf32, #tpu.memory_space<hbm>> -> memref<1000000x64xf32, #tpu.memory_space<hbm>>
      tpu.wait_indirect_dma semaphore(%arg9 : memref<!tpu.dma_semaphore, #tpu.memory_space<semaphore_mem>>) src(%dma_wait3A_574 : memref<1000000x64xf32, #tpu.memory_space<hbm>>) dst(%dma_wait3A_568 : memref<128x64xf32, #tpu.memory_space<vmem>>)
      %add3A_575 = arith.constant 2 : i32
      %add3A_576 = arith.addi %mul3A_370, %add3A_575 : i32
      %mul3A_577 = arith.constant 200 : i32
      %mul3A_578 = arith.muli %add3A, %mul3A_577 : i32
      %mul3A_579 = arith.constant 4 : i32
      %mul3A_580 = arith.muli %add3A_576, %mul3A_579 : i32
      %add3A_581 = arith.addi %mul3A_578, %mul3A_580 : i32
      %dma_start3A_582 = arith.constant 2 : i32
      %dma_start3A_583 = arith.constant 0 : i32
      %dma_start3A_584 = arith.constant 0 : i32
      %dma_start3A_585 = arith.constant 0 : i32
      %dma_start3A_586 = tpu.memref_slice %arg6[%dma_start3A_582, %dma_start3A_583, %dma_start3A_584, %dma_start3A_585] : memref<3x4x128x64xf32, #tpu.memory_space<vmem>> -> memref<1x4x128x64xf32, #tpu.memory_space<vmem>>
      %dma_start3A_587 = tpu.memref_squeeze %dma_start3A_586 : memref<1x4x128x64xf32, #tpu.memory_space<vmem>> -> memref<4x128x64xf32, #tpu.memory_space<vmem>>
      %dma_start3A_588 = arith.constant 0 : i32
      %dma_start3A_589 = arith.constant 0 : i32
      %dma_start3A_590 = tpu.memref_slice %arg4[%add3A_581, %dma_start3A_588, %dma_start3A_589] : memref<6400x128x64xf32, #tpu.memory_space<hbm>> -> memref<4x128x64xf32, #tpu.memory_space<hbm>>
      %dma_start3A_591 = arith.constant 0 : i32
      %dma_start3A_592 = arith.constant 0 : i32
      %dma_start3A_593 = tpu.memref_slice %arg4[%add3A_581, %dma_start3A_591, %dma_start3A_592] : memref<6400x128x64xf32, #tpu.memory_space<hbm>> -> memref<4x128x64xf32, #tpu.memory_space<hbm>>
      %dma_start3A_594 = arith.constant 0 : i32
      %dma_start3A_595 = arith.constant 0 : i32
      %dma_start3A_596 = arith.constant 0 : i32
      %dma_start3A_597 = tpu.memref_slice %arg6[%dma_start3A_582, %dma_start3A_594, %dma_start3A_595, %dma_start3A_596] : memref<3x4x128x64xf32, #tpu.memory_space<vmem>> -> memref<1x4x128x64xf32, #tpu.memory_space<vmem>>
      %dma_start3A_598 = tpu.memref_squeeze %dma_start3A_597 : memref<1x4x128x64xf32, #tpu.memory_space<vmem>> -> memref<4x128x64xf32, #tpu.memory_space<vmem>>
      tpu.enqueue_dma source(%dma_start3A_598 : memref<4x128x64xf32, #tpu.memory_space<vmem>>) target(%dma_start3A_593 : memref<4x128x64xf32, #tpu.memory_space<hbm>>) target_semaphore(%arg12 : memref<!tpu.dma_semaphore, #tpu.memory_space<semaphore_mem>>)
      %add3A_599 = arith.constant 3 : i32
      %add3A_600 = arith.addi %mul3A_370, %add3A_599 : i32
      %add3A_601 = arith.constant 0 : i32
      %add3A_602 = arith.addi %add3A_600, %add3A_601 : i32
      %lt3A = arith.constant 50 : i32
      %lt3A_603 = arith.cmpi slt, %add3A_602, %lt3A : i32
      %convert_element_type3A = arith.extui %lt3A_603 : i1 to i32
      %cond3A = arith.constant 0 : i32
      %cond3A_604 = arith.cmpi ne, %convert_element_type3A, %cond3A : i32
      scf.if %cond3A_604 {
        %dma_wait3A_623 = arith.constant 0 : i32
        %dma_wait3A_624 = arith.constant 0 : i32
        %dma_wait3A_625 = arith.constant 0 : i32
        %dma_wait3A_626 = arith.constant 0 : i32
        %dma_wait3A_627 = tpu.memref_slice %arg6[%dma_wait3A_623, %dma_wait3A_624, %dma_wait3A_625, %dma_wait3A_626] : memref<3x4x128x64xf32, #tpu.memory_space<vmem>> -> memref<1x4x128x64xf32, #tpu.memory_space<vmem>>
        %dma_wait3A_628 = tpu.memref_squeeze %dma_wait3A_627 : memref<1x4x128x64xf32, #tpu.memory_space<vmem>> -> memref<4x128x64xf32, #tpu.memory_space<vmem>>
        %dma_wait3A_629 = arith.constant 0 : i32
        %dma_wait3A_630 = arith.constant 0 : i32
        %dma_wait3A_631 = arith.constant 0 : i32
        %dma_wait3A_632 = tpu.memref_slice %arg4[%dma_wait3A_629, %dma_wait3A_630, %dma_wait3A_631] : memref<6400x128x64xf32, #tpu.memory_space<hbm>> -> memref<4x128x64xf32, #tpu.memory_space<hbm>>
        %dma_wait3A_633 = arith.constant 0 : i32
        %dma_wait3A_634 = arith.constant 0 : i32
        %dma_wait3A_635 = arith.constant 0 : i32
        %dma_wait3A_636 = tpu.memref_slice %arg4[%dma_wait3A_633, %dma_wait3A_634, %dma_wait3A_635] : memref<6400x128x64xf32, #tpu.memory_space<hbm>> -> memref<4x128x64xf32, #tpu.memory_space<hbm>>
        %dma_wait3A_637 = arith.constant 0 : i32
        %dma_wait3A_638 = arith.constant 0 : i32
        %dma_wait3A_639 = arith.constant 0 : i32
        %dma_wait3A_640 = tpu.memref_slice %arg6[%dma_wait3A_623, %dma_wait3A_637, %dma_wait3A_638, %dma_wait3A_639] : memref<3x4x128x64xf32, #tpu.memory_space<vmem>> -> memref<1x4x128x64xf32, #tpu.memory_space<vmem>>
        %dma_wait3A_641 = tpu.memref_squeeze %dma_wait3A_640 : memref<1x4x128x64xf32, #tpu.memory_space<vmem>> -> memref<4x128x64xf32, #tpu.memory_space<vmem>>
        tpu.wait_dma2 semaphore(%arg10 : memref<!tpu.dma_semaphore, #tpu.memory_space<semaphore_mem>>) src(%dma_wait3A_641 : memref<4x128x64xf32, #tpu.memory_space<vmem>>) dst(%dma_wait3A_636 : memref<4x128x64xf32, #tpu.memory_space<hbm>>)
        %mul3A_642 = arith.constant 4 : i32
        %mul3A_643 = arith.muli %add3A_602, %mul3A_642 : i32
        %add3A_644 = arith.constant 0 : i32
        %add3A_645 = arith.addi %mul3A_643, %add3A_644 : i32
        %dma_start3A_646 = arith.constant 0 : i32
        %dma_start3A_647 = arith.constant 0 : i32
        %dma_start3A_648 = arith.constant 0 : i32
        %dma_start3A_649 = arith.constant 0 : i32
        %dma_start3A_650 = tpu.memref_slice %arg6[%dma_start3A_646, %dma_start3A_647, %dma_start3A_648, %dma_start3A_649] : memref<3x4x128x64xf32, #tpu.memory_space<vmem>> -> memref<1x1x128x64xf32, #tpu.memory_space<vmem>>
        %dma_start3A_651 = tpu.memref_squeeze %dma_start3A_650 : memref<1x1x128x64xf32, #tpu.memory_space<vmem>> -> memref<128x64xf32, #tpu.memory_space<vmem>>
        %dma_start3A_652 = arith.constant 0 : i32
        %dma_start3A_653 = tpu.memref_slice %arg5[%add3A_645, %dma_start3A_652] : memref<200x128xi32, #tpu.memory_space<vmem>> -> memref<1x128xi32, #tpu.memory_space<vmem>>
        %dma_start3A_654 = tpu.memref_squeeze %dma_start3A_653 : memref<1x128xi32, #tpu.memory_space<vmem>> -> memref<128xi32, #tpu.memory_space<vmem>>
        %dma_start3A_655 = arith.constant 0 : i32
        %dma_start3A_656 = arith.constant 0 : i32
        %dma_start3A_657 = tpu.memref_slice %arg3[%dma_start3A_655, %dma_start3A_656] : memref<1000000x64xf32, #tpu.memory_space<hbm>> -> memref<1000000x64xf32, #tpu.memory_space<hbm>>
        tpu.enqueue_indirect_dma source(%dma_start3A_657 : memref<1000000x64xf32, #tpu.memory_space<hbm>>) target(%dma_start3A_651 : memref<128x64xf32, #tpu.memory_space<vmem>>) offsets(%dma_start3A_654 : memref<128xi32, #tpu.memory_space<vmem>>) semaphore(%arg7 : memref<!tpu.dma_semaphore, #tpu.memory_space<semaphore_mem>>)
        %mul3A_658 = arith.constant 4 : i32
        %mul3A_659 = arith.muli %add3A_602, %mul3A_658 : i32
        %add3A_660 = arith.constant 1 : i32
        %add3A_661 = arith.addi %mul3A_659, %add3A_660 : i32
        %dma_start3A_662 = arith.constant 0 : i32
        %dma_start3A_663 = arith.constant 1 : i32
        %dma_start3A_664 = arith.constant 0 : i32
        %dma_start3A_665 = arith.constant 0 : i32
        %dma_start3A_666 = tpu.memref_slice %arg6[%dma_start3A_662, %dma_start3A_663, %dma_start3A_664, %dma_start3A_665] : memref<3x4x128x64xf32, #tpu.memory_space<vmem>> -> memref<1x1x128x64xf32, #tpu.memory_space<vmem>>
        %dma_start3A_667 = tpu.memref_squeeze %dma_start3A_666 : memref<1x1x128x64xf32, #tpu.memory_space<vmem>> -> memref<128x64xf32, #tpu.memory_space<vmem>>
        %dma_start3A_668 = arith.constant 0 : i32
        %dma_start3A_669 = tpu.memref_slice %arg5[%add3A_661, %dma_start3A_668] : memref<200x128xi32, #tpu.memory_space<vmem>> -> memref<1x128xi32, #tpu.memory_space<vmem>>
        %dma_start3A_670 = tpu.memref_squeeze %dma_start3A_669 : memref<1x128xi32, #tpu.memory_space<vmem>> -> memref<128xi32, #tpu.memory_space<vmem>>
        %dma_start3A_671 = arith.constant 0 : i32
        %dma_start3A_672 = arith.constant 0 : i32
        %dma_start3A_673 = tpu.memref_slice %arg3[%dma_start3A_671, %dma_start3A_672] : memref<1000000x64xf32, #tpu.memory_space<hbm>> -> memref<1000000x64xf32, #tpu.memory_space<hbm>>
        tpu.enqueue_indirect_dma source(%dma_start3A_673 : memref<1000000x64xf32, #tpu.memory_space<hbm>>) target(%dma_start3A_667 : memref<128x64xf32, #tpu.memory_space<vmem>>) offsets(%dma_start3A_670 : memref<128xi32, #tpu.memory_space<vmem>>) semaphore(%arg7 : memref<!tpu.dma_semaphore, #tpu.memory_space<semaphore_mem>>)
        %mul3A_674 = arith.constant 4 : i32
        %mul3A_675 = arith.muli %add3A_602, %mul3A_674 : i32
        %add3A_676 = arith.constant 2 : i32
        %add3A_677 = arith.addi %mul3A_675, %add3A_676 : i32
        %dma_start3A_678 = arith.constant 0 : i32
        %dma_start3A_679 = arith.constant 2 : i32
        %dma_start3A_680 = arith.constant 0 : i32
        %dma_start3A_681 = arith.constant 0 : i32
        %dma_start3A_682 = tpu.memref_slice %arg6[%dma_start3A_678, %dma_start3A_679, %dma_start3A_680, %dma_start3A_681] : memref<3x4x128x64xf32, #tpu.memory_space<vmem>> -> memref<1x1x128x64xf32, #tpu.memory_space<vmem>>
        %dma_start3A_683 = tpu.memref_squeeze %dma_start3A_682 : memref<1x1x128x64xf32, #tpu.memory_space<vmem>> -> memref<128x64xf32, #tpu.memory_space<vmem>>
        %dma_start3A_684 = arith.constant 0 : i32
        %dma_start3A_685 = tpu.memref_slice %arg5[%add3A_677, %dma_start3A_684] : memref<200x128xi32, #tpu.memory_space<vmem>> -> memref<1x128xi32, #tpu.memory_space<vmem>>
        %dma_start3A_686 = tpu.memref_squeeze %dma_start3A_685 : memref<1x128xi32, #tpu.memory_space<vmem>> -> memref<128xi32, #tpu.memory_space<vmem>>
        %dma_start3A_687 = arith.constant 0 : i32
        %dma_start3A_688 = arith.constant 0 : i32
        %dma_start3A_689 = tpu.memref_slice %arg3[%dma_start3A_687, %dma_start3A_688] : memref<1000000x64xf32, #tpu.memory_space<hbm>> -> memref<1000000x64xf32, #tpu.memory_space<hbm>>
        tpu.enqueue_indirect_dma source(%dma_start3A_689 : memref<1000000x64xf32, #tpu.memory_space<hbm>>) target(%dma_start3A_683 : memref<128x64xf32, #tpu.memory_space<vmem>>) offsets(%dma_start3A_686 : memref<128xi32, #tpu.memory_space<vmem>>) semaphore(%arg7 : memref<!tpu.dma_semaphore, #tpu.memory_space<semaphore_mem>>)
        %mul3A_690 = arith.constant 4 : i32
        %mul3A_691 = arith.muli %add3A_602, %mul3A_690 : i32
        %add3A_692 = arith.constant 3 : i32
        %add3A_693 = arith.addi %mul3A_691, %add3A_692 : i32
        %dma_start3A_694 = arith.constant 0 : i32
        %dma_start3A_695 = arith.constant 3 : i32
        %dma_start3A_696 = arith.constant 0 : i32
        %dma_start3A_697 = arith.constant 0 : i32
        %dma_start3A_698 = tpu.memref_slice %arg6[%dma_start3A_694, %dma_start3A_695, %dma_start3A_696, %dma_start3A_697] : memref<3x4x128x64xf32, #tpu.memory_space<vmem>> -> memref<1x1x128x64xf32, #tpu.memory_space<vmem>>
        %dma_start3A_699 = tpu.memref_squeeze %dma_start3A_698 : memref<1x1x128x64xf32, #tpu.memory_space<vmem>> -> memref<128x64xf32, #tpu.memory_space<vmem>>
        %dma_start3A_700 = arith.constant 0 : i32
        %dma_start3A_701 = tpu.memref_slice %arg5[%add3A_693, %dma_start3A_700] : memref<200x128xi32, #tpu.memory_space<vmem>> -> memref<1x128xi32, #tpu.memory_space<vmem>>
        %dma_start3A_702 = tpu.memref_squeeze %dma_start3A_701 : memref<1x128xi32, #tpu.memory_space<vmem>> -> memref<128xi32, #tpu.memory_space<vmem>>
        %dma_start3A_703 = arith.constant 0 : i32
        %dma_start3A_704 = arith.constant 0 : i32
        %dma_start3A_705 = tpu.memref_slice %arg3[%dma_start3A_703, %dma_start3A_704] : memref<1000000x64xf32, #tpu.memory_space<hbm>> -> memref<1000000x64xf32, #tpu.memory_space<hbm>>
        tpu.enqueue_indirect_dma source(%dma_start3A_705 : memref<1000000x64xf32, #tpu.memory_space<hbm>>) target(%dma_start3A_699 : memref<128x64xf32, #tpu.memory_space<vmem>>) offsets(%dma_start3A_702 : memref<128xi32, #tpu.memory_space<vmem>>) semaphore(%arg7 : memref<!tpu.dma_semaphore, #tpu.memory_space<semaphore_mem>>)
      } else {
      }
      %add3A_605 = arith.constant 3 : i32
      %add3A_606 = arith.addi %mul3A_370, %add3A_605 : i32
      %add3A_607 = arith.constant 1 : i32
      %add3A_608 = arith.addi %add3A_606, %add3A_607 : i32
      %lt3A_609 = arith.constant 50 : i32
      %lt3A_610 = arith.cmpi slt, %add3A_608, %lt3A_609 : i32
      %convert_element_type3A_611 = arith.extui %lt3A_610 : i1 to i32
      %cond3A_612 = arith.constant 0 : i32
      %cond3A_613 = arith.cmpi ne, %convert_element_type3A_611, %cond3A_612 : i32
      scf.if %cond3A_613 {
        %dma_wait3A_623 = arith.constant 1 : i32
        %dma_wait3A_624 = arith.constant 0 : i32
        %dma_wait3A_625 = arith.constant 0 : i32
        %dma_wait3A_626 = arith.constant 0 : i32
        %dma_wait3A_627 = tpu.memref_slice %arg6[%dma_wait3A_623, %dma_wait3A_624, %dma_wait3A_625, %dma_wait3A_626] : memref<3x4x128x64xf32, #tpu.memory_space<vmem>> -> memref<1x4x128x64xf32, #tpu.memory_space<vmem>>
        %dma_wait3A_628 = tpu.memref_squeeze %dma_wait3A_627 : memref<1x4x128x64xf32, #tpu.memory_space<vmem>> -> memref<4x128x64xf32, #tpu.memory_space<vmem>>
        %dma_wait3A_629 = arith.constant 0 : i32
        %dma_wait3A_630 = arith.constant 0 : i32
        %dma_wait3A_631 = arith.constant 0 : i32
        %dma_wait3A_632 = tpu.memref_slice %arg4[%dma_wait3A_629, %dma_wait3A_630, %dma_wait3A_631] : memref<6400x128x64xf32, #tpu.memory_space<hbm>> -> memref<4x128x64xf32, #tpu.memory_space<hbm>>
        %dma_wait3A_633 = arith.constant 0 : i32
        %dma_wait3A_634 = arith.constant 0 : i32
        %dma_wait3A_635 = arith.constant 0 : i32
        %dma_wait3A_636 = tpu.memref_slice %arg4[%dma_wait3A_633, %dma_wait3A_634, %dma_wait3A_635] : memref<6400x128x64xf32, #tpu.memory_space<hbm>> -> memref<4x128x64xf32, #tpu.memory_space<hbm>>
        %dma_wait3A_637 = arith.constant 0 : i32
        %dma_wait3A_638 = arith.constant 0 : i32
        %dma_wait3A_639 = arith.constant 0 : i32
        %dma_wait3A_640 = tpu.memref_slice %arg6[%dma_wait3A_623, %dma_wait3A_637, %dma_wait3A_638, %dma_wait3A_639] : memref<3x4x128x64xf32, #tpu.memory_space<vmem>> -> memref<1x4x128x64xf32, #tpu.memory_space<vmem>>
        %dma_wait3A_641 = tpu.memref_squeeze %dma_wait3A_640 : memref<1x4x128x64xf32, #tpu.memory_space<vmem>> -> memref<4x128x64xf32, #tpu.memory_space<vmem>>
        tpu.wait_dma2 semaphore(%arg11 : memref<!tpu.dma_semaphore, #tpu.memory_space<semaphore_mem>>) src(%dma_wait3A_641 : memref<4x128x64xf32, #tpu.memory_space<vmem>>) dst(%dma_wait3A_636 : memref<4x128x64xf32, #tpu.memory_space<hbm>>)
        %mul3A_642 = arith.constant 4 : i32
        %mul3A_643 = arith.muli %add3A_608, %mul3A_642 : i32
        %add3A_644 = arith.constant 0 : i32
        %add3A_645 = arith.addi %mul3A_643, %add3A_644 : i32
        %dma_start3A_646 = arith.constant 1 : i32
        %dma_start3A_647 = arith.constant 0 : i32
        %dma_start3A_648 = arith.constant 0 : i32
        %dma_start3A_649 = arith.constant 0 : i32
        %dma_start3A_650 = tpu.memref_slice %arg6[%dma_start3A_646, %dma_start3A_647, %dma_start3A_648, %dma_start3A_649] : memref<3x4x128x64xf32, #tpu.memory_space<vmem>> -> memref<1x1x128x64xf32, #tpu.memory_space<vmem>>
        %dma_start3A_651 = tpu.memref_squeeze %dma_start3A_650 : memref<1x1x128x64xf32, #tpu.memory_space<vmem>> -> memref<128x64xf32, #tpu.memory_space<vmem>>
        %dma_start3A_652 = arith.constant 0 : i32
        %dma_start3A_653 = tpu.memref_slice %arg5[%add3A_645, %dma_start3A_652] : memref<200x128xi32, #tpu.memory_space<vmem>> -> memref<1x128xi32, #tpu.memory_space<vmem>>
        %dma_start3A_654 = tpu.memref_squeeze %dma_start3A_653 : memref<1x128xi32, #tpu.memory_space<vmem>> -> memref<128xi32, #tpu.memory_space<vmem>>
        %dma_start3A_655 = arith.constant 0 : i32
        %dma_start3A_656 = arith.constant 0 : i32
        %dma_start3A_657 = tpu.memref_slice %arg3[%dma_start3A_655, %dma_start3A_656] : memref<1000000x64xf32, #tpu.memory_space<hbm>> -> memref<1000000x64xf32, #tpu.memory_space<hbm>>
        tpu.enqueue_indirect_dma source(%dma_start3A_657 : memref<1000000x64xf32, #tpu.memory_space<hbm>>) target(%dma_start3A_651 : memref<128x64xf32, #tpu.memory_space<vmem>>) offsets(%dma_start3A_654 : memref<128xi32, #tpu.memory_space<vmem>>) semaphore(%arg8 : memref<!tpu.dma_semaphore, #tpu.memory_space<semaphore_mem>>)
        %mul3A_658 = arith.constant 4 : i32
        %mul3A_659 = arith.muli %add3A_608, %mul3A_658 : i32
        %add3A_660 = arith.constant 1 : i32
        %add3A_661 = arith.addi %mul3A_659, %add3A_660 : i32
        %dma_start3A_662 = arith.constant 1 : i32
        %dma_start3A_663 = arith.constant 1 : i32
        %dma_start3A_664 = arith.constant 0 : i32
        %dma_start3A_665 = arith.constant 0 : i32
        %dma_start3A_666 = tpu.memref_slice %arg6[%dma_start3A_662, %dma_start3A_663, %dma_start3A_664, %dma_start3A_665] : memref<3x4x128x64xf32, #tpu.memory_space<vmem>> -> memref<1x1x128x64xf32, #tpu.memory_space<vmem>>
        %dma_start3A_667 = tpu.memref_squeeze %dma_start3A_666 : memref<1x1x128x64xf32, #tpu.memory_space<vmem>> -> memref<128x64xf32, #tpu.memory_space<vmem>>
        %dma_start3A_668 = arith.constant 0 : i32
        %dma_start3A_669 = tpu.memref_slice %arg5[%add3A_661, %dma_start3A_668] : memref<200x128xi32, #tpu.memory_space<vmem>> -> memref<1x128xi32, #tpu.memory_space<vmem>>
        %dma_start3A_670 = tpu.memref_squeeze %dma_start3A_669 : memref<1x128xi32, #tpu.memory_space<vmem>> -> memref<128xi32, #tpu.memory_space<vmem>>
        %dma_start3A_671 = arith.constant 0 : i32
        %dma_start3A_672 = arith.constant 0 : i32
        %dma_start3A_673 = tpu.memref_slice %arg3[%dma_start3A_671, %dma_start3A_672] : memref<1000000x64xf32, #tpu.memory_space<hbm>> -> memref<1000000x64xf32, #tpu.memory_space<hbm>>
        tpu.enqueue_indirect_dma source(%dma_start3A_673 : memref<1000000x64xf32, #tpu.memory_space<hbm>>) target(%dma_start3A_667 : memref<128x64xf32, #tpu.memory_space<vmem>>) offsets(%dma_start3A_670 : memref<128xi32, #tpu.memory_space<vmem>>) semaphore(%arg8 : memref<!tpu.dma_semaphore, #tpu.memory_space<semaphore_mem>>)
        %mul3A_674 = arith.constant 4 : i32
        %mul3A_675 = arith.muli %add3A_608, %mul3A_674 : i32
        %add3A_676 = arith.constant 2 : i32
        %add3A_677 = arith.addi %mul3A_675, %add3A_676 : i32
        %dma_start3A_678 = arith.constant 1 : i32
        %dma_start3A_679 = arith.constant 2 : i32
        %dma_start3A_680 = arith.constant 0 : i32
        %dma_start3A_681 = arith.constant 0 : i32
        %dma_start3A_682 = tpu.memref_slice %arg6[%dma_start3A_678, %dma_start3A_679, %dma_start3A_680, %dma_start3A_681] : memref<3x4x128x64xf32, #tpu.memory_space<vmem>> -> memref<1x1x128x64xf32, #tpu.memory_space<vmem>>
        %dma_start3A_683 = tpu.memref_squeeze %dma_start3A_682 : memref<1x1x128x64xf32, #tpu.memory_space<vmem>> -> memref<128x64xf32, #tpu.memory_space<vmem>>
        %dma_start3A_684 = arith.constant 0 : i32
        %dma_start3A_685 = tpu.memref_slice %arg5[%add3A_677, %dma_start3A_684] : memref<200x128xi32, #tpu.memory_space<vmem>> -> memref<1x128xi32, #tpu.memory_space<vmem>>
        %dma_start3A_686 = tpu.memref_squeeze %dma_start3A_685 : memref<1x128xi32, #tpu.memory_space<vmem>> -> memref<128xi32, #tpu.memory_space<vmem>>
        %dma_start3A_687 = arith.constant 0 : i32
        %dma_start3A_688 = arith.constant 0 : i32
        %dma_start3A_689 = tpu.memref_slice %arg3[%dma_start3A_687, %dma_start3A_688] : memref<1000000x64xf32, #tpu.memory_space<hbm>> -> memref<1000000x64xf32, #tpu.memory_space<hbm>>
        tpu.enqueue_indirect_dma source(%dma_start3A_689 : memref<1000000x64xf32, #tpu.memory_space<hbm>>) target(%dma_start3A_683 : memref<128x64xf32, #tpu.memory_space<vmem>>) offsets(%dma_start3A_686 : memref<128xi32, #tpu.memory_space<vmem>>) semaphore(%arg8 : memref<!tpu.dma_semaphore, #tpu.memory_space<semaphore_mem>>)
        %mul3A_690 = arith.constant 4 : i32
        %mul3A_691 = arith.muli %add3A_608, %mul3A_690 : i32
        %add3A_692 = arith.constant 3 : i32
        %add3A_693 = arith.addi %mul3A_691, %add3A_692 : i32
        %dma_start3A_694 = arith.constant 1 : i32
        %dma_start3A_695 = arith.constant 3 : i32
        %dma_start3A_696 = arith.constant 0 : i32
        %dma_start3A_697 = arith.constant 0 : i32
        %dma_start3A_698 = tpu.memref_slice %arg6[%dma_start3A_694, %dma_start3A_695, %dma_start3A_696, %dma_start3A_697] : memref<3x4x128x64xf32, #tpu.memory_space<vmem>> -> memref<1x1x128x64xf32, #tpu.memory_space<vmem>>
        %dma_start3A_699 = tpu.memref_squeeze %dma_start3A_698 : memref<1x1x128x64xf32, #tpu.memory_space<vmem>> -> memref<128x64xf32, #tpu.memory_space<vmem>>
        %dma_start3A_700 = arith.constant 0 : i32
        %dma_start3A_701 = tpu.memref_slice %arg5[%add3A_693, %dma_start3A_700] : memref<200x128xi32, #tpu.memory_space<vmem>> -> memref<1x128xi32, #tpu.memory_space<vmem>>
        %dma_start3A_702 = tpu.memref_squeeze %dma_start3A_701 : memref<1x128xi32, #tpu.memory_space<vmem>> -> memref<128xi32, #tpu.memory_space<vmem>>
        %dma_start3A_703 = arith.constant 0 : i32
        %dma_start3A_704 = arith.constant 0 : i32
        %dma_start3A_705 = tpu.memref_slice %arg3[%dma_start3A_703, %dma_start3A_704] : memref<1000000x64xf32, #tpu.memory_space<hbm>> -> memref<1000000x64xf32, #tpu.memory_space<hbm>>
        tpu.enqueue_indirect_dma source(%dma_start3A_705 : memref<1000000x64xf32, #tpu.memory_space<hbm>>) target(%dma_start3A_699 : memref<128x64xf32, #tpu.memory_space<vmem>>) offsets(%dma_start3A_702 : memref<128xi32, #tpu.memory_space<vmem>>) semaphore(%arg8 : memref<!tpu.dma_semaphore, #tpu.memory_space<semaphore_mem>>)
      } else {
      }
      %add3A_614 = arith.constant 3 : i32
      %add3A_615 = arith.addi %mul3A_370, %add3A_614 : i32
      %add3A_616 = arith.constant 2 : i32
      %add3A_617 = arith.addi %add3A_615, %add3A_616 : i32
      %lt3A_618 = arith.constant 50 : i32
      %lt3A_619 = arith.cmpi slt, %add3A_617, %lt3A_618 : i32
      %convert_element_type3A_620 = arith.extui %lt3A_619 : i1 to i32
      %cond3A_621 = arith.constant 0 : i32
      %cond3A_622 = arith.cmpi ne, %convert_element_type3A_620, %cond3A_621 : i32
      scf.if %cond3A_622 {
        %dma_wait3A_623 = arith.constant 2 : i32
        %dma_wait3A_624 = arith.constant 0 : i32
        %dma_wait3A_625 = arith.constant 0 : i32
        %dma_wait3A_626 = arith.constant 0 : i32
        %dma_wait3A_627 = tpu.memref_slice %arg6[%dma_wait3A_623, %dma_wait3A_624, %dma_wait3A_625, %dma_wait3A_626] : memref<3x4x128x64xf32, #tpu.memory_space<vmem>> -> memref<1x4x128x64xf32, #tpu.memory_space<vmem>>
        %dma_wait3A_628 = tpu.memref_squeeze %dma_wait3A_627 : memref<1x4x128x64xf32, #tpu.memory_space<vmem>> -> memref<4x128x64xf32, #tpu.memory_space<vmem>>
        %dma_wait3A_629 = arith.constant 0 : i32
        %dma_wait3A_630 = arith.constant 0 : i32
        %dma_wait3A_631 = arith.constant 0 : i32
        %dma_wait3A_632 = tpu.memref_slice %arg4[%dma_wait3A_629, %dma_wait3A_630, %dma_wait3A_631] : memref<6400x128x64xf32, #tpu.memory_space<hbm>> -> memref<4x128x64xf32, #tpu.memory_space<hbm>>
        %dma_wait3A_633 = arith.constant 0 : i32
        %dma_wait3A_634 = arith.constant 0 : i32
        %dma_wait3A_635 = arith.constant 0 : i32
        %dma_wait3A_636 = tpu.memref_slice %arg4[%dma_wait3A_633, %dma_wait3A_634, %dma_wait3A_635] : memref<6400x128x64xf32, #tpu.memory_space<hbm>> -> memref<4x128x64xf32, #tpu.memory_space<hbm>>
        %dma_wait3A_637 = arith.constant 0 : i32
        %dma_wait3A_638 = arith.constant 0 : i32
        %dma_wait3A_639 = arith.constant 0 : i32
        %dma_wait3A_640 = tpu.memref_slice %arg6[%dma_wait3A_623, %dma_wait3A_637, %dma_wait3A_638, %dma_wait3A_639] : memref<3x4x128x64xf32, #tpu.memory_space<vmem>> -> memref<1x4x128x64xf32, #tpu.memory_space<vmem>>
        %dma_wait3A_641 = tpu.memref_squeeze %dma_wait3A_640 : memref<1x4x128x64xf32, #tpu.memory_space<vmem>> -> memref<4x128x64xf32, #tpu.memory_space<vmem>>
        tpu.wait_dma2 semaphore(%arg12 : memref<!tpu.dma_semaphore, #tpu.memory_space<semaphore_mem>>) src(%dma_wait3A_641 : memref<4x128x64xf32, #tpu.memory_space<vmem>>) dst(%dma_wait3A_636 : memref<4x128x64xf32, #tpu.memory_space<hbm>>)
        %mul3A_642 = arith.constant 4 : i32
        %mul3A_643 = arith.muli %add3A_617, %mul3A_642 : i32
        %add3A_644 = arith.constant 0 : i32
        %add3A_645 = arith.addi %mul3A_643, %add3A_644 : i32
        %dma_start3A_646 = arith.constant 2 : i32
        %dma_start3A_647 = arith.constant 0 : i32
        %dma_start3A_648 = arith.constant 0 : i32
        %dma_start3A_649 = arith.constant 0 : i32
        %dma_start3A_650 = tpu.memref_slice %arg6[%dma_start3A_646, %dma_start3A_647, %dma_start3A_648, %dma_start3A_649] : memref<3x4x128x64xf32, #tpu.memory_space<vmem>> -> memref<1x1x128x64xf32, #tpu.memory_space<vmem>>
        %dma_start3A_651 = tpu.memref_squeeze %dma_start3A_650 : memref<1x1x128x64xf32, #tpu.memory_space<vmem>> -> memref<128x64xf32, #tpu.memory_space<vmem>>
        %dma_start3A_652 = arith.constant 0 : i32
        %dma_start3A_653 = tpu.memref_slice %arg5[%add3A_645, %dma_start3A_652] : memref<200x128xi32, #tpu.memory_space<vmem>> -> memref<1x128xi32, #tpu.memory_space<vmem>>
        %dma_start3A_654 = tpu.memref_squeeze %dma_start3A_653 : memref<1x128xi32, #tpu.memory_space<vmem>> -> memref<128xi32, #tpu.memory_space<vmem>>
        %dma_start3A_655 = arith.constant 0 : i32
        %dma_start3A_656 = arith.constant 0 : i32
        %dma_start3A_657 = tpu.memref_slice %arg3[%dma_start3A_655, %dma_start3A_656] : memref<1000000x64xf32, #tpu.memory_space<hbm>> -> memref<1000000x64xf32, #tpu.memory_space<hbm>>
        tpu.enqueue_indirect_dma source(%dma_start3A_657 : memref<1000000x64xf32, #tpu.memory_space<hbm>>) target(%dma_start3A_651 : memref<128x64xf32, #tpu.memory_space<vmem>>) offsets(%dma_start3A_654 : memref<128xi32, #tpu.memory_space<vmem>>) semaphore(%arg9 : memref<!tpu.dma_semaphore, #tpu.memory_space<semaphore_mem>>)
        %mul3A_658 = arith.constant 4 : i32
        %mul3A_659 = arith.muli %add3A_617, %mul3A_658 : i32
        %add3A_660 = arith.constant 1 : i32
        %add3A_661 = arith.addi %mul3A_659, %add3A_660 : i32
        %dma_start3A_662 = arith.constant 2 : i32
        %dma_start3A_663 = arith.constant 1 : i32
        %dma_start3A_664 = arith.constant 0 : i32
        %dma_start3A_665 = arith.constant 0 : i32
        %dma_start3A_666 = tpu.memref_slice %arg6[%dma_start3A_662, %dma_start3A_663, %dma_start3A_664, %dma_start3A_665] : memref<3x4x128x64xf32, #tpu.memory_space<vmem>> -> memref<1x1x128x64xf32, #tpu.memory_space<vmem>>
        %dma_start3A_667 = tpu.memref_squeeze %dma_start3A_666 : memref<1x1x128x64xf32, #tpu.memory_space<vmem>> -> memref<128x64xf32, #tpu.memory_space<vmem>>
        %dma_start3A_668 = arith.constant 0 : i32
        %dma_start3A_669 = tpu.memref_slice %arg5[%add3A_661, %dma_start3A_668] : memref<200x128xi32, #tpu.memory_space<vmem>> -> memref<1x128xi32, #tpu.memory_space<vmem>>
        %dma_start3A_670 = tpu.memref_squeeze %dma_start3A_669 : memref<1x128xi32, #tpu.memory_space<vmem>> -> memref<128xi32, #tpu.memory_space<vmem>>
        %dma_start3A_671 = arith.constant 0 : i32
        %dma_start3A_672 = arith.constant 0 : i32
        %dma_start3A_673 = tpu.memref_slice %arg3[%dma_start3A_671, %dma_start3A_672] : memref<1000000x64xf32, #tpu.memory_space<hbm>> -> memref<1000000x64xf32, #tpu.memory_space<hbm>>
        tpu.enqueue_indirect_dma source(%dma_start3A_673 : memref<1000000x64xf32, #tpu.memory_space<hbm>>) target(%dma_start3A_667 : memref<128x64xf32, #tpu.memory_space<vmem>>) offsets(%dma_start3A_670 : memref<128xi32, #tpu.memory_space<vmem>>) semaphore(%arg9 : memref<!tpu.dma_semaphore, #tpu.memory_space<semaphore_mem>>)
        %mul3A_674 = arith.constant 4 : i32
        %mul3A_675 = arith.muli %add3A_617, %mul3A_674 : i32
        %add3A_676 = arith.constant 2 : i32
        %add3A_677 = arith.addi %mul3A_675, %add3A_676 : i32
        %dma_start3A_678 = arith.constant 2 : i32
        %dma_start3A_679 = arith.constant 2 : i32
        %dma_start3A_680 = arith.constant 0 : i32
        %dma_start3A_681 = arith.constant 0 : i32
        %dma_start3A_682 = tpu.memref_slice %arg6[%dma_start3A_678, %dma_start3A_679, %dma_start3A_680, %dma_start3A_681] : memref<3x4x128x64xf32, #tpu.memory_space<vmem>> -> memref<1x1x128x64xf32, #tpu.memory_space<vmem>>
        %dma_start3A_683 = tpu.memref_squeeze %dma_start3A_682 : memref<1x1x128x64xf32, #tpu.memory_space<vmem>> -> memref<128x64xf32, #tpu.memory_space<vmem>>
        %dma_start3A_684 = arith.constant 0 : i32
        %dma_start3A_685 = tpu.memref_slice %arg5[%add3A_677, %dma_start3A_684] : memref<200x128xi32, #tpu.memory_space<vmem>> -> memref<1x128xi32, #tpu.memory_space<vmem>>
        %dma_start3A_686 = tpu.memref_squeeze %dma_start3A_685 : memref<1x128xi32, #tpu.memory_space<vmem>> -> memref<128xi32, #tpu.memory_space<vmem>>
        %dma_start3A_687 = arith.constant 0 : i32
        %dma_start3A_688 = arith.constant 0 : i32
        %dma_start3A_689 = tpu.memref_slice %arg3[%dma_start3A_687, %dma_start3A_688] : memref<1000000x64xf32, #tpu.memory_space<hbm>> -> memref<1000000x64xf32, #tpu.memory_space<hbm>>
        tpu.enqueue_indirect_dma source(%dma_start3A_689 : memref<1000000x64xf32, #tpu.memory_space<hbm>>) target(%dma_start3A_683 : memref<128x64xf32, #tpu.memory_space<vmem>>) offsets(%dma_start3A_686 : memref<128xi32, #tpu.memory_space<vmem>>) semaphore(%arg9 : memref<!tpu.dma_semaphore, #tpu.memory_space<semaphore_mem>>)
        %mul3A_690 = arith.constant 4 : i32
        %mul3A_691 = arith.muli %add3A_617, %mul3A_690 : i32
        %add3A_692 = arith.constant 3 : i32
        %add3A_693 = arith.addi %mul3A_691, %add3A_692 : i32
        %dma_start3A_694 = arith.constant 2 : i32
        %dma_start3A_695 = arith.constant 3 : i32
        %dma_start3A_696 = arith.constant 0 : i32
        %dma_start3A_697 = arith.constant 0 : i32
        %dma_start3A_698 = tpu.memref_slice %arg6[%dma_start3A_694, %dma_start3A_695, %dma_start3A_696, %dma_start3A_697] : memref<3x4x128x64xf32, #tpu.memory_space<vmem>> -> memref<1x1x128x64xf32, #tpu.memory_space<vmem>>
        %dma_start3A_699 = tpu.memref_squeeze %dma_start3A_698 : memref<1x1x128x64xf32, #tpu.memory_space<vmem>> -> memref<128x64xf32, #tpu.memory_space<vmem>>
        %dma_start3A_700 = arith.constant 0 : i32
        %dma_start3A_701 = tpu.memref_slice %arg5[%add3A_693, %dma_start3A_700] : memref<200x128xi32, #tpu.memory_space<vmem>> -> memref<1x128xi32, #tpu.memory_space<vmem>>
        %dma_start3A_702 = tpu.memref_squeeze %dma_start3A_701 : memref<1x128xi32, #tpu.memory_space<vmem>> -> memref<128xi32, #tpu.memory_space<vmem>>
        %dma_start3A_703 = arith.constant 0 : i32
        %dma_start3A_704 = arith.constant 0 : i32
        %dma_start3A_705 = tpu.memref_slice %arg3[%dma_start3A_703, %dma_start3A_704] : memref<1000000x64xf32, #tpu.memory_space<hbm>> -> memref<1000000x64xf32, #tpu.memory_space<hbm>>
        tpu.enqueue_indirect_dma source(%dma_start3A_705 : memref<1000000x64xf32, #tpu.memory_space<hbm>>) target(%dma_start3A_699 : memref<128x64xf32, #tpu.memory_space<vmem>>) offsets(%dma_start3A_702 : memref<128xi32, #tpu.memory_space<vmem>>) semaphore(%arg9 : memref<!tpu.dma_semaphore, #tpu.memory_space<semaphore_mem>>)
      } else {
      }
    }
    %scan3A_161 = arith.constant 16 : i32
    %dma_wait3A = arith.constant 0 : i32
    %dma_wait3A_162 = arith.constant 0 : i32
    %dma_wait3A_163 = arith.constant 0 : i32
    %dma_wait3A_164 = arith.constant 0 : i32
    %dma_wait3A_165 = arith.constant 0 : i32
    %dma_wait3A_166 = tpu.memref_slice %arg6[%dma_wait3A_162, %dma_wait3A_163, %dma_wait3A_164, %dma_wait3A_165] : memref<3x4x128x64xf32, #tpu.memory_space<vmem>> -> memref<1x1x128x64xf32, #tpu.memory_space<vmem>>
    %dma_wait3A_167 = tpu.memref_squeeze %dma_wait3A_166 : memref<1x1x128x64xf32, #tpu.memory_space<vmem>> -> memref<128x64xf32, #tpu.memory_space<vmem>>
    %dma_wait3A_168 = arith.constant 0 : i32
    %dma_wait3A_169 = tpu.memref_slice %arg5[%dma_wait3A, %dma_wait3A_168] : memref<200x128xi32, #tpu.memory_space<vmem>> -> memref<1x128xi32, #tpu.memory_space<vmem>>
    %dma_wait3A_170 = tpu.memref_squeeze %dma_wait3A_169 : memref<1x128xi32, #tpu.memory_space<vmem>> -> memref<128xi32, #tpu.memory_space<vmem>>
    %dma_wait3A_171 = arith.constant 0 : i32
    %dma_wait3A_172 = arith.constant 0 : i32
    %dma_wait3A_173 = tpu.memref_slice %arg3[%dma_wait3A_171, %dma_wait3A_172] : memref<1000000x64xf32, #tpu.memory_space<hbm>> -> memref<1000000x64xf32, #tpu.memory_space<hbm>>
    tpu.wait_indirect_dma semaphore(%arg7 : memref<!tpu.dma_semaphore, #tpu.memory_space<semaphore_mem>>) src(%dma_wait3A_173 : memref<1000000x64xf32, #tpu.memory_space<hbm>>) dst(%dma_wait3A_167 : memref<128x64xf32, #tpu.memory_space<vmem>>)
    %dma_wait3A_174 = arith.constant 0 : i32
    %dma_wait3A_175 = arith.constant 0 : i32
    %dma_wait3A_176 = arith.constant 1 : i32
    %dma_wait3A_177 = arith.constant 0 : i32
    %dma_wait3A_178 = arith.constant 0 : i32
    %dma_wait3A_179 = tpu.memref_slice %arg6[%dma_wait3A_175, %dma_wait3A_176, %dma_wait3A_177, %dma_wait3A_178] : memref<3x4x128x64xf32, #tpu.memory_space<vmem>> -> memref<1x1x128x64xf32, #tpu.memory_space<vmem>>
    %dma_wait3A_180 = tpu.memref_squeeze %dma_wait3A_179 : memref<1x1x128x64xf32, #tpu.memory_space<vmem>> -> memref<128x64xf32, #tpu.memory_space<vmem>>
    %dma_wait3A_181 = arith.constant 0 : i32
    %dma_wait3A_182 = tpu.memref_slice %arg5[%dma_wait3A_174, %dma_wait3A_181] : memref<200x128xi32, #tpu.memory_space<vmem>> -> memref<1x128xi32, #tpu.memory_space<vmem>>
    %dma_wait3A_183 = tpu.memref_squeeze %dma_wait3A_182 : memref<1x128xi32, #tpu.memory_space<vmem>> -> memref<128xi32, #tpu.memory_space<vmem>>
    %dma_wait3A_184 = arith.constant 0 : i32
    %dma_wait3A_185 = arith.constant 0 : i32
    %dma_wait3A_186 = tpu.memref_slice %arg3[%dma_wait3A_184, %dma_wait3A_185] : memref<1000000x64xf32, #tpu.memory_space<hbm>> -> memref<1000000x64xf32, #tpu.memory_space<hbm>>
    tpu.wait_indirect_dma semaphore(%arg7 : memref<!tpu.dma_semaphore, #tpu.memory_space<semaphore_mem>>) src(%dma_wait3A_186 : memref<1000000x64xf32, #tpu.memory_space<hbm>>) dst(%dma_wait3A_180 : memref<128x64xf32, #tpu.memory_space<vmem>>)
    %dma_wait3A_187 = arith.constant 0 : i32
    %dma_wait3A_188 = arith.constant 0 : i32
    %dma_wait3A_189 = arith.constant 2 : i32
    %dma_wait3A_190 = arith.constant 0 : i32
    %dma_wait3A_191 = arith.constant 0 : i32
    %dma_wait3A_192 = tpu.memref_slice %arg6[%dma_wait3A_188, %dma_wait3A_189, %dma_wait3A_190, %dma_wait3A_191] : memref<3x4x128x64xf32, #tpu.memory_space<vmem>> -> memref<1x1x128x64xf32, #tpu.memory_space<vmem>>
    %dma_wait3A_193 = tpu.memref_squeeze %dma_wait3A_192 : memref<1x1x128x64xf32, #tpu.memory_space<vmem>> -> memref<128x64xf32, #tpu.memory_space<vmem>>
    %dma_wait3A_194 = arith.constant 0 : i32
    %dma_wait3A_195 = tpu.memref_slice %arg5[%dma_wait3A_187, %dma_wait3A_194] : memref<200x128xi32, #tpu.memory_space<vmem>> -> memref<1x128xi32, #tpu.memory_space<vmem>>
    %dma_wait3A_196 = tpu.memref_squeeze %dma_wait3A_195 : memref<1x128xi32, #tpu.memory_space<vmem>> -> memref<128xi32, #tpu.memory_space<vmem>>
    %dma_wait3A_197 = arith.constant 0 : i32
    %dma_wait3A_198 = arith.constant 0 : i32
    %dma_wait3A_199 = tpu.memref_slice %arg3[%dma_wait3A_197, %dma_wait3A_198] : memref<1000000x64xf32, #tpu.memory_space<hbm>> -> memref<1000000x64xf32, #tpu.memory_space<hbm>>
    tpu.wait_indirect_dma semaphore(%arg7 : memref<!tpu.dma_semaphore, #tpu.memory_space<semaphore_mem>>) src(%dma_wait3A_199 : memref<1000000x64xf32, #tpu.memory_space<hbm>>) dst(%dma_wait3A_193 : memref<128x64xf32, #tpu.memory_space<vmem>>)
    %dma_wait3A_200 = arith.constant 0 : i32
    %dma_wait3A_201 = arith.constant 0 : i32
    %dma_wait3A_202 = arith.constant 3 : i32
    %dma_wait3A_203 = arith.constant 0 : i32
    %dma_wait3A_204 = arith.constant 0 : i32
    %dma_wait3A_205 = tpu.memref_slice %arg6[%dma_wait3A_201, %dma_wait3A_202, %dma_wait3A_203, %dma_wait3A_204] : memref<3x4x128x64xf32, #tpu.memory_space<vmem>> -> memref<1x1x128x64xf32, #tpu.memory_space<vmem>>
    %dma_wait3A_206 = tpu.memref_squeeze %dma_wait3A_205 : memref<1x1x128x64xf32, #tpu.memory_space<vmem>> -> memref<128x64xf32, #tpu.memory_space<vmem>>
    %dma_wait3A_207 = arith.constant 0 : i32
    %dma_wait3A_208 = tpu.memref_slice %arg5[%dma_wait3A_200, %dma_wait3A_207] : memref<200x128xi32, #tpu.memory_space<vmem>> -> memref<1x128xi32, #tpu.memory_space<vmem>>
    %dma_wait3A_209 = tpu.memref_squeeze %dma_wait3A_208 : memref<1x128xi32, #tpu.memory_space<vmem>> -> memref<128xi32, #tpu.memory_space<vmem>>
    %dma_wait3A_210 = arith.constant 0 : i32
    %dma_wait3A_211 = arith.constant 0 : i32
    %dma_wait3A_212 = tpu.memref_slice %arg3[%dma_wait3A_210, %dma_wait3A_211] : memref<1000000x64xf32, #tpu.memory_space<hbm>> -> memref<1000000x64xf32, #tpu.memory_space<hbm>>
    tpu.wait_indirect_dma semaphore(%arg7 : memref<!tpu.dma_semaphore, #tpu.memory_space<semaphore_mem>>) src(%dma_wait3A_212 : memref<1000000x64xf32, #tpu.memory_space<hbm>>) dst(%dma_wait3A_206 : memref<128x64xf32, #tpu.memory_space<vmem>>)
    %mul3A_213 = arith.constant 200 : i32
    %mul3A_214 = arith.muli %add3A, %mul3A_213 : i32
    %add3A_215 = arith.constant 192 : i32
    %add3A_216 = arith.addi %mul3A_214, %add3A_215 : i32
    %dma_start3A_217 = arith.constant 0 : i32
    %dma_start3A_218 = arith.constant 0 : i32
    %dma_start3A_219 = arith.constant 0 : i32
    %dma_start3A_220 = arith.constant 0 : i32
    %dma_start3A_221 = tpu.memref_slice %arg6[%dma_start3A_217, %dma_start3A_218, %dma_start3A_219, %dma_start3A_220] : memref<3x4x128x64xf32, #tpu.memory_space<vmem>> -> memref<1x4x128x64xf32, #tpu.memory_space<vmem>>
    %dma_start3A_222 = tpu.memref_squeeze %dma_start3A_221 : memref<1x4x128x64xf32, #tpu.memory_space<vmem>> -> memref<4x128x64xf32, #tpu.memory_space<vmem>>
    %dma_start3A_223 = arith.constant 0 : i32
    %dma_start3A_224 = arith.constant 0 : i32
    %dma_start3A_225 = tpu.memref_slice %arg4[%add3A_216, %dma_start3A_223, %dma_start3A_224] : memref<6400x128x64xf32, #tpu.memory_space<hbm>> -> memref<4x128x64xf32, #tpu.memory_space<hbm>>
    %dma_start3A_226 = arith.constant 0 : i32
    %dma_start3A_227 = arith.constant 0 : i32
    %dma_start3A_228 = tpu.memref_slice %arg4[%add3A_216, %dma_start3A_226, %dma_start3A_227] : memref<6400x128x64xf32, #tpu.memory_space<hbm>> -> memref<4x128x64xf32, #tpu.memory_space<hbm>>
    %dma_start3A_229 = arith.constant 0 : i32
    %dma_start3A_230 = arith.constant 0 : i32
    %dma_start3A_231 = arith.constant 0 : i32
    %dma_start3A_232 = tpu.memref_slice %arg6[%dma_start3A_217, %dma_start3A_229, %dma_start3A_230, %dma_start3A_231] : memref<3x4x128x64xf32, #tpu.memory_space<vmem>> -> memref<1x4x128x64xf32, #tpu.memory_space<vmem>>
    %dma_start3A_233 = tpu.memref_squeeze %dma_start3A_232 : memref<1x4x128x64xf32, #tpu.memory_space<vmem>> -> memref<4x128x64xf32, #tpu.memory_space<vmem>>
    tpu.enqueue_dma source(%dma_start3A_233 : memref<4x128x64xf32, #tpu.memory_space<vmem>>) target(%dma_start3A_228 : memref<4x128x64xf32, #tpu.memory_space<hbm>>) target_semaphore(%arg10 : memref<!tpu.dma_semaphore, #tpu.memory_space<semaphore_mem>>)
    %dma_wait3A_234 = arith.constant 0 : i32
    %dma_wait3A_235 = arith.constant 1 : i32
    %dma_wait3A_236 = arith.constant 0 : i32
    %dma_wait3A_237 = arith.constant 0 : i32
    %dma_wait3A_238 = arith.constant 0 : i32
    %dma_wait3A_239 = tpu.memref_slice %arg6[%dma_wait3A_235, %dma_wait3A_236, %dma_wait3A_237, %dma_wait3A_238] : memref<3x4x128x64xf32, #tpu.memory_space<vmem>> -> memref<1x1x128x64xf32, #tpu.memory_space<vmem>>
    %dma_wait3A_240 = tpu.memref_squeeze %dma_wait3A_239 : memref<1x1x128x64xf32, #tpu.memory_space<vmem>> -> memref<128x64xf32, #tpu.memory_space<vmem>>
    %dma_wait3A_241 = arith.constant 0 : i32
    %dma_wait3A_242 = tpu.memref_slice %arg5[%dma_wait3A_234, %dma_wait3A_241] : memref<200x128xi32, #tpu.memory_space<vmem>> -> memref<1x128xi32, #tpu.memory_space<vmem>>
    %dma_wait3A_243 = tpu.memref_squeeze %dma_wait3A_242 : memref<1x128xi32, #tpu.memory_space<vmem>> -> memref<128xi32, #tpu.memory_space<vmem>>
    %dma_wait3A_244 = arith.constant 0 : i32
    %dma_wait3A_245 = arith.constant 0 : i32
    %dma_wait3A_246 = tpu.memref_slice %arg3[%dma_wait3A_244, %dma_wait3A_245] : memref<1000000x64xf32, #tpu.memory_space<hbm>> -> memref<1000000x64xf32, #tpu.memory_space<hbm>>
    tpu.wait_indirect_dma semaphore(%arg8 : memref<!tpu.dma_semaphore, #tpu.memory_space<semaphore_mem>>) src(%dma_wait3A_246 : memref<1000000x64xf32, #tpu.memory_space<hbm>>) dst(%dma_wait3A_240 : memref<128x64xf32, #tpu.memory_space<vmem>>)
    %dma_wait3A_247 = arith.constant 0 : i32
    %dma_wait3A_248 = arith.constant 1 : i32
    %dma_wait3A_249 = arith.constant 1 : i32
    %dma_wait3A_250 = arith.constant 0 : i32
    %dma_wait3A_251 = arith.constant 0 : i32
    %dma_wait3A_252 = tpu.memref_slice %arg6[%dma_wait3A_248, %dma_wait3A_249, %dma_wait3A_250, %dma_wait3A_251] : memref<3x4x128x64xf32, #tpu.memory_space<vmem>> -> memref<1x1x128x64xf32, #tpu.memory_space<vmem>>
    %dma_wait3A_253 = tpu.memref_squeeze %dma_wait3A_252 : memref<1x1x128x64xf32, #tpu.memory_space<vmem>> -> memref<128x64xf32, #tpu.memory_space<vmem>>
    %dma_wait3A_254 = arith.constant 0 : i32
    %dma_wait3A_255 = tpu.memref_slice %arg5[%dma_wait3A_247, %dma_wait3A_254] : memref<200x128xi32, #tpu.memory_space<vmem>> -> memref<1x128xi32, #tpu.memory_space<vmem>>
    %dma_wait3A_256 = tpu.memref_squeeze %dma_wait3A_255 : memref<1x128xi32, #tpu.memory_space<vmem>> -> memref<128xi32, #tpu.memory_space<vmem>>
    %dma_wait3A_257 = arith.constant 0 : i32
    %dma_wait3A_258 = arith.constant 0 : i32
    %dma_wait3A_259 = tpu.memref_slice %arg3[%dma_wait3A_257, %dma_wait3A_258] : memref<1000000x64xf32, #tpu.memory_space<hbm>> -> memref<1000000x64xf32, #tpu.memory_space<hbm>>
    tpu.wait_indirect_dma semaphore(%arg8 : memref<!tpu.dma_semaphore, #tpu.memory_space<semaphore_mem>>) src(%dma_wait3A_259 : memref<1000000x64xf32, #tpu.memory_space<hbm>>) dst(%dma_wait3A_253 : memref<128x64xf32, #tpu.memory_space<vmem>>)
    %dma_wait3A_260 = arith.constant 0 : i32
    %dma_wait3A_261 = arith.constant 1 : i32
    %dma_wait3A_262 = arith.constant 2 : i32
    %dma_wait3A_263 = arith.constant 0 : i32
    %dma_wait3A_264 = arith.constant 0 : i32
    %dma_wait3A_265 = tpu.memref_slice %arg6[%dma_wait3A_261, %dma_wait3A_262, %dma_wait3A_263, %dma_wait3A_264] : memref<3x4x128x64xf32, #tpu.memory_space<vmem>> -> memref<1x1x128x64xf32, #tpu.memory_space<vmem>>
    %dma_wait3A_266 = tpu.memref_squeeze %dma_wait3A_265 : memref<1x1x128x64xf32, #tpu.memory_space<vmem>> -> memref<128x64xf32, #tpu.memory_space<vmem>>
    %dma_wait3A_267 = arith.constant 0 : i32
    %dma_wait3A_268 = tpu.memref_slice %arg5[%dma_wait3A_260, %dma_wait3A_267] : memref<200x128xi32, #tpu.memory_space<vmem>> -> memref<1x128xi32, #tpu.memory_space<vmem>>
    %dma_wait3A_269 = tpu.memref_squeeze %dma_wait3A_268 : memref<1x128xi32, #tpu.memory_space<vmem>> -> memref<128xi32, #tpu.memory_space<vmem>>
    %dma_wait3A_270 = arith.constant 0 : i32
    %dma_wait3A_271 = arith.constant 0 : i32
    %dma_wait3A_272 = tpu.memref_slice %arg3[%dma_wait3A_270, %dma_wait3A_271] : memref<1000000x64xf32, #tpu.memory_space<hbm>> -> memref<1000000x64xf32, #tpu.memory_space<hbm>>
    tpu.wait_indirect_dma semaphore(%arg8 : memref<!tpu.dma_semaphore, #tpu.memory_space<semaphore_mem>>) src(%dma_wait3A_272 : memref<1000000x64xf32, #tpu.memory_space<hbm>>) dst(%dma_wait3A_266 : memref<128x64xf32, #tpu.memory_space<vmem>>)
    %dma_wait3A_273 = arith.constant 0 : i32
    %dma_wait3A_274 = arith.constant 1 : i32
    %dma_wait3A_275 = arith.constant 3 : i32
    %dma_wait3A_276 = arith.constant 0 : i32
    %dma_wait3A_277 = arith.constant 0 : i32
    %dma_wait3A_278 = tpu.memref_slice %arg6[%dma_wait3A_274, %dma_wait3A_275, %dma_wait3A_276, %dma_wait3A_277] : memref<3x4x128x64xf32, #tpu.memory_space<vmem>> -> memref<1x1x128x64xf32, #tpu.memory_space<vmem>>
    %dma_wait3A_279 = tpu.memref_squeeze %dma_wait3A_278 : memref<1x1x128x64xf32, #tpu.memory_space<vmem>> -> memref<128x64xf32, #tpu.memory_space<vmem>>
    %dma_wait3A_280 = arith.constant 0 : i32
    %dma_wait3A_281 = tpu.memref_slice %arg5[%dma_wait3A_273, %dma_wait3A_280] : memref<200x128xi32, #tpu.memory_space<vmem>> -> memref<1x128xi32, #tpu.memory_space<vmem>>
    %dma_wait3A_282 = tpu.memref_squeeze %dma_wait3A_281 : memref<1x128xi32, #tpu.memory_space<vmem>> -> memref<128xi32, #tpu.memory_space<vmem>>
    %dma_wait3A_283 = arith.constant 0 : i32
    %dma_wait3A_284 = arith.constant 0 : i32
    %dma_wait3A_285 = tpu.memref_slice %arg3[%dma_wait3A_283, %dma_wait3A_284] : memref<1000000x64xf32, #tpu.memory_space<hbm>> -> memref<1000000x64xf32, #tpu.memory_space<hbm>>
    tpu.wait_indirect_dma semaphore(%arg8 : memref<!tpu.dma_semaphore, #tpu.memory_space<semaphore_mem>>) src(%dma_wait3A_285 : memref<1000000x64xf32, #tpu.memory_space<hbm>>) dst(%dma_wait3A_279 : memref<128x64xf32, #tpu.memory_space<vmem>>)
    %mul3A_286 = arith.constant 200 : i32
    %mul3A_287 = arith.muli %add3A, %mul3A_286 : i32
    %add3A_288 = arith.constant 196 : i32
    %add3A_289 = arith.addi %mul3A_287, %add3A_288 : i32
    %dma_start3A_290 = arith.constant 1 : i32
    %dma_start3A_291 = arith.constant 0 : i32
    %dma_start3A_292 = arith.constant 0 : i32
    %dma_start3A_293 = arith.constant 0 : i32
    %dma_start3A_294 = tpu.memref_slice %arg6[%dma_start3A_290, %dma_start3A_291, %dma_start3A_292, %dma_start3A_293] : memref<3x4x128x64xf32, #tpu.memory_space<vmem>> -> memref<1x4x128x64xf32, #tpu.memory_space<vmem>>
    %dma_start3A_295 = tpu.memref_squeeze %dma_start3A_294 : memref<1x4x128x64xf32, #tpu.memory_space<vmem>> -> memref<4x128x64xf32, #tpu.memory_space<vmem>>
    %dma_start3A_296 = arith.constant 0 : i32
    %dma_start3A_297 = arith.constant 0 : i32
    %dma_start3A_298 = tpu.memref_slice %arg4[%add3A_289, %dma_start3A_296, %dma_start3A_297] : memref<6400x128x64xf32, #tpu.memory_space<hbm>> -> memref<4x128x64xf32, #tpu.memory_space<hbm>>
    %dma_start3A_299 = arith.constant 0 : i32
    %dma_start3A_300 = arith.constant 0 : i32
    %dma_start3A_301 = tpu.memref_slice %arg4[%add3A_289, %dma_start3A_299, %dma_start3A_300] : memref<6400x128x64xf32, #tpu.memory_space<hbm>> -> memref<4x128x64xf32, #tpu.memory_space<hbm>>
    %dma_start3A_302 = arith.constant 0 : i32
    %dma_start3A_303 = arith.constant 0 : i32
    %dma_start3A_304 = arith.constant 0 : i32
    %dma_start3A_305 = tpu.memref_slice %arg6[%dma_start3A_290, %dma_start3A_302, %dma_start3A_303, %dma_start3A_304] : memref<3x4x128x64xf32, #tpu.memory_space<vmem>> -> memref<1x4x128x64xf32, #tpu.memory_space<vmem>>
    %dma_start3A_306 = tpu.memref_squeeze %dma_start3A_305 : memref<1x4x128x64xf32, #tpu.memory_space<vmem>> -> memref<4x128x64xf32, #tpu.memory_space<vmem>>
    tpu.enqueue_dma source(%dma_start3A_306 : memref<4x128x64xf32, #tpu.memory_space<vmem>>) target(%dma_start3A_301 : memref<4x128x64xf32, #tpu.memory_space<hbm>>) target_semaphore(%arg11 : memref<!tpu.dma_semaphore, #tpu.memory_space<semaphore_mem>>)
    %dma_wait3A_307 = arith.constant 0 : i32
    %dma_wait3A_308 = arith.constant 0 : i32
    %dma_wait3A_309 = arith.constant 0 : i32
    %dma_wait3A_310 = arith.constant 0 : i32
    %dma_wait3A_311 = tpu.memref_slice %arg6[%dma_wait3A_307, %dma_wait3A_308, %dma_wait3A_309, %dma_wait3A_310] : memref<3x4x128x64xf32, #tpu.memory_space<vmem>> -> memref<1x4x128x64xf32, #tpu.memory_space<vmem>>
    %dma_wait3A_312 = tpu.memref_squeeze %dma_wait3A_311 : memref<1x4x128x64xf32, #tpu.memory_space<vmem>> -> memref<4x128x64xf32, #tpu.memory_space<vmem>>
    %dma_wait3A_313 = arith.constant 0 : i32
    %dma_wait3A_314 = arith.constant 0 : i32
    %dma_wait3A_315 = arith.constant 0 : i32
    %dma_wait3A_316 = tpu.memref_slice %arg4[%dma_wait3A_313, %dma_wait3A_314, %dma_wait3A_315] : memref<6400x128x64xf32, #tpu.memory_space<hbm>> -> memref<4x128x64xf32, #tpu.memory_space<hbm>>
    %dma_wait3A_317 = arith.constant 0 : i32
    %dma_wait3A_318 = arith.constant 0 : i32
    %dma_wait3A_319 = arith.constant 0 : i32
    %dma_wait3A_320 = tpu.memref_slice %arg4[%dma_wait3A_317, %dma_wait3A_318, %dma_wait3A_319] : memref<6400x128x64xf32, #tpu.memory_space<hbm>> -> memref<4x128x64xf32, #tpu.memory_space<hbm>>
    %dma_wait3A_321 = arith.constant 0 : i32
    %dma_wait3A_322 = arith.constant 0 : i32
    %dma_wait3A_323 = arith.constant 0 : i32
    %dma_wait3A_324 = tpu.memref_slice %arg6[%dma_wait3A_307, %dma_wait3A_321, %dma_wait3A_322, %dma_wait3A_323] : memref<3x4x128x64xf32, #tpu.memory_space<vmem>> -> memref<1x4x128x64xf32, #tpu.memory_space<vmem>>
    %dma_wait3A_325 = tpu.memref_squeeze %dma_wait3A_324 : memref<1x4x128x64xf32, #tpu.memory_space<vmem>> -> memref<4x128x64xf32, #tpu.memory_space<vmem>>
    tpu.wait_dma2 semaphore(%arg10 : memref<!tpu.dma_semaphore, #tpu.memory_space<semaphore_mem>>) src(%dma_wait3A_325 : memref<4x128x64xf32, #tpu.memory_space<vmem>>) dst(%dma_wait3A_320 : memref<4x128x64xf32, #tpu.memory_space<hbm>>)
    %dma_wait3A_326 = arith.constant 1 : i32
    %dma_wait3A_327 = arith.constant 0 : i32
    %dma_wait3A_328 = arith.constant 0 : i32
    %dma_wait3A_329 = arith.constant 0 : i32
    %dma_wait3A_330 = tpu.memref_slice %arg6[%dma_wait3A_326, %dma_wait3A_327, %dma_wait3A_328, %dma_wait3A_329] : memref<3x4x128x64xf32, #tpu.memory_space<vmem>> -> memref<1x4x128x64xf32, #tpu.memory_space<vmem>>
    %dma_wait3A_331 = tpu.memref_squeeze %dma_wait3A_330 : memref<1x4x128x64xf32, #tpu.memory_space<vmem>> -> memref<4x128x64xf32, #tpu.memory_space<vmem>>
    %dma_wait3A_332 = arith.constant 0 : i32
    %dma_wait3A_333 = arith.constant 0 : i32
    %dma_wait3A_334 = arith.constant 0 : i32
    %dma_wait3A_335 = tpu.memref_slice %arg4[%dma_wait3A_332, %dma_wait3A_333, %dma_wait3A_334] : memref<6400x128x64xf32, #tpu.memory_space<hbm>> -> memref<4x128x64xf32, #tpu.memory_space<hbm>>
    %dma_wait3A_336 = arith.constant 0 : i32
    %dma_wait3A_337 = arith.constant 0 : i32
    %dma_wait3A_338 = arith.constant 0 : i32
    %dma_wait3A_339 = tpu.memref_slice %arg4[%dma_wait3A_336, %dma_wait3A_337, %dma_wait3A_338] : memref<6400x128x64xf32, #tpu.memory_space<hbm>> -> memref<4x128x64xf32, #tpu.memory_space<hbm>>
    %dma_wait3A_340 = arith.constant 0 : i32
    %dma_wait3A_341 = arith.constant 0 : i32
    %dma_wait3A_342 = arith.constant 0 : i32
    %dma_wait3A_343 = tpu.memref_slice %arg6[%dma_wait3A_326, %dma_wait3A_340, %dma_wait3A_341, %dma_wait3A_342] : memref<3x4x128x64xf32, #tpu.memory_space<vmem>> -> memref<1x4x128x64xf32, #tpu.memory_space<vmem>>
    %dma_wait3A_344 = tpu.memref_squeeze %dma_wait3A_343 : memref<1x4x128x64xf32, #tpu.memory_space<vmem>> -> memref<4x128x64xf32, #tpu.memory_space<vmem>>
    tpu.wait_dma2 semaphore(%arg11 : memref<!tpu.dma_semaphore, #tpu.memory_space<semaphore_mem>>) src(%dma_wait3A_344 : memref<4x128x64xf32, #tpu.memory_space<vmem>>) dst(%dma_wait3A_339 : memref<4x128x64xf32, #tpu.memory_space<hbm>>)
    %dma_wait3A_345 = arith.constant 2 : i32
    %dma_wait3A_346 = arith.constant 0 : i32
    %dma_wait3A_347 = arith.constant 0 : i32
    %dma_wait3A_348 = arith.constant 0 : i32
    %dma_wait3A_349 = tpu.memref_slice %arg6[%dma_wait3A_345, %dma_wait3A_346, %dma_wait3A_347, %dma_wait3A_348] : memref<3x4x128x64xf32, #tpu.memory_space<vmem>> -> memref<1x4x128x64xf32, #tpu.memory_space<vmem>>
    %dma_wait3A_350 = tpu.memref_squeeze %dma_wait3A_349 : memref<1x4x128x64xf32, #tpu.memory_space<vmem>> -> memref<4x128x64xf32, #tpu.memory_space<vmem>>
    %dma_wait3A_351 = arith.constant 0 : i32
    %dma_wait3A_352 = arith.constant 0 : i32
    %dma_wait3A_353 = arith.constant 0 : i32
    %dma_wait3A_354 = tpu.memref_slice %arg4[%dma_wait3A_351, %dma_wait3A_352, %dma_wait3A_353] : memref<6400x128x64xf32, #tpu.memory_space<hbm>> -> memref<4x128x64xf32, #tpu.memory_space<hbm>>
    %dma_wait3A_355 = arith.constant 0 : i32
    %dma_wait3A_356 = arith.constant 0 : i32
    %dma_wait3A_357 = arith.constant 0 : i32
    %dma_wait3A_358 = tpu.memref_slice %arg4[%dma_wait3A_355, %dma_wait3A_356, %dma_wait3A_357] : memref<6400x128x64xf32, #tpu.memory_space<hbm>> -> memref<4x128x64xf32, #tpu.memory_space<hbm>>
    %dma_wait3A_359 = arith.constant 0 : i32
    %dma_wait3A_360 = arith.constant 0 : i32
    %dma_wait3A_361 = arith.constant 0 : i32
    %dma_wait3A_362 = tpu.memref_slice %arg6[%dma_wait3A_345, %dma_wait3A_359, %dma_wait3A_360, %dma_wait3A_361] : memref<3x4x128x64xf32, #tpu.memory_space<vmem>> -> memref<1x4x128x64xf32, #tpu.memory_space<vmem>>
    %dma_wait3A_363 = tpu.memref_squeeze %dma_wait3A_362 : memref<1x4x128x64xf32, #tpu.memory_space<vmem>> -> memref<4x128x64xf32, #tpu.memory_space<vmem>>
    tpu.wait_dma2 semaphore(%arg12 : memref<!tpu.dma_semaphore, #tpu.memory_space<semaphore_mem>>) src(%dma_wait3A_363 : memref<4x128x64xf32, #tpu.memory_space<vmem>>) dst(%dma_wait3A_358 : memref<4x128x64xf32, #tpu.memory_space<hbm>>)
    return
  }
}

</mosaic_0001>

<sc_bundles>
// kernel: kernel.3.cloned.1.call-start
scs
__scs_entry_jumppad:
0x0: {  	(pc) =	sbr.rel $0x88, $3  }
0x1: {  	(tag) =	ssettag $0x0;
	lr =	simm.s32 $0x1  }
0x2: {  	[smem:$0x3F9F] =	sst lr;
	_ =	strace $0xD0000000  }
0x3: {  	_ = 	snop  }
0x4: {  	_ = 	snop  }
0x5: {  	_ = 	snop  }
0x6: {  	_ = 	snop  }
0x7: {  	_ = 	snop  }
__scs_overlays_trampoline_lowered:
0x8: {  	[smem:$0x3FAE] =	sst s0  }
0x9: {  	[smem:$0x3FAF] =	sst s1  }
0xa: {  	[smem:$0x3FB0] =	sst s2  }
0xb: {  	[smem:$0x3FB1] =	sst s3  }
0xc: {  	[smem:$0x3FB2] =	sst s4  }
0xd: {  	[smem:$0x3FB3] =	sst s5  }
0xe: {  	[smem:$0x3FB4] =	sst s6  }
0xf: {  	[smem:$0x3FB5] =	sst s7  }
0x10: {  	[smem:$0x3FB6] =	sst s8  }
0x11: {  	[smem:$0x3FB7] =	sst s9;
	s0 =	simm.s32 @!p0 $0x0  }
0x12: {  	s1 =	sld [smem:$0x3F9D];
	s0 =	simm.s32 @p0 $0x1  }
0x13: {  	[smem:$0x3FB8] =	sst s0;
	s0 =	simm.s32 @!p1 $0x0  }
0x14: {  	s2 =	sld [smem:$0x3F9C];
	s0 =	simm.s32 @p1 $0x1  }
0x15: {  	[smem:$0x3FB9] =	sst s0;
	s0 =	simm.s32 @!p2 $0x0  }
0x16: {  	s3 =	sld [smem:$0x3FDB];
	s0 =	simm.s32 @p2 $0x1  }
0x17: {  	s4 =	simm.s32 $0x1BF5;
	[smem:$0x3FBB] =	sst s0  }
0x18: {  	s0 =	sld [smem:$0x3F9E];
	_ =	swait.ge [sflag:s4], $0x0  }
0x19: {  	s7 =	sld [smem:$0x3F9F]  }
0x1a: {  	s8 =	sadd.s32 $0xFFFFE003, lr  }
0x1b: {  	s9 =	sadd.s32 $0xFFFFFEF7, lr;
	s5 =	simm.s32 $0xFFFFFFFF;
	p2 =	slt.u32 s8, $0xFFFFF086  }
0x1c: {  	p1 =	slt.u32 s9, $0xF7A;
	s5 =	simm.s32 @!p2 $0x0  }
0x1d: {  	s5 =	simm.s32 @p1 $0x1;
	p0 =	seq.s32 s7, s2  }
0x1e: {  	s7 =	smul.u32 @!p0 $0xF7A, s2;
	p2 =	seq.s32 @!p0 s5, $0x0  }
0x1f: {  	s9 =	smul.u32 $0xF7A, s1;
	s8 =	simm.s32 @!p0 $0x1BF5;
	p2 =	por !p2, p0  }
0x20: {  	[sflag:s8] =	ssyncset.s32 @!p0 $0xFFFFF086;
	s6 =	sadd.s32 @!p0 s3, s7;
	s7 =	simm.s32 @!p0 $0x108  }
0x21: {  	s3 =	sadd.s32 s3, s9;
	s6 =	sadd.s32 @!p0 $0x88, s6;
	s7 =	simm.s32 @p2 $0x1082  }
0x22: {  	[simem:s7], [sflag:s8] =	dma.local @!p0 [hbm:s6], $0xF7A  }
0x23: {  	s9 =	sor.u32 $0xD0000000, s2;
	s6 =	simm.s32 $0x108;
	_ =	swait.ge @!p0 [sflag:s8], $0x0  }
0x24: {  	s3 =	sadd.s32 $0x88, s3;
	s6 =	simm.s32 @!p1 $0x1082;
	[sflag:s4] =	ssyncset.s32 $0xFFFFF086  }
0x25: {  	[simem:s6], [sflag:s4] =	dma.local [hbm:s3], $0xF7A  }
0x26: {  	[smem:$0x3F9F] =	sst s1;
	(tag) =	ssettag s2;
	_ =	strace s9  }
0x27: {  	s1 =	sld [smem:$0x3FAF]  }
0x28: {  	s2 =	sld [smem:$0x3FB0]  }
0x29: {  	s4 =	sld [smem:$0x3FB2]  }
0x2a: {  	p0 =	seq.s32 s5, $0x0;
	s5 =	sld [smem:$0x3FB3]  }
0x2b: {  	s6 =	sld [smem:$0x3FB4]  }
0x2c: {  	s7 =	sld [smem:$0x3FB5]  }
0x2d: {  	s3 =	simm.s32 $0x108;
	s8 =	sld [smem:$0x3FB6]  }
0x2e: {  	s3 =	simm.s32 @!p0 $0x1082;
	s9 =	sld [smem:$0x3FB7]  }
0x2f: {  	lr =	sadd.s32 s0, s3;
	s0 =	sld [smem:$0x3FAE]  }
0x30: {  	s3 =	sld [smem:$0x3FB1]  }
0x31: {  	[smem:$0x3FBA] =	sst s10  }
0x32: {  	s10 =	sld [smem:$0x3FB8];
	_ =	sdelay $0x3  }
0x33: {  	p0 =	seq.s32 s10, $0x1;
	s10 =	sld [smem:$0x3FBA];
	_ =	sdelay $0x3  }
0x34: {  	[smem:$0x3FBA] =	sst s10  }
0x35: {  	s10 =	sld [smem:$0x3FB9];
	_ =	sdelay $0x3  }
0x36: {  	p1 =	seq.s32 s10, $0x1;
	s10 =	sld [smem:$0x3FBA];
	_ =	sdelay $0x3  }
0x37: {  	[smem:$0x3FBA] =	sst s10  }
0x38: {  	s10 =	sld [smem:$0x3FBB]  }
0x39: {  	_ = 	snop;
	(pc) =	sbr.ind lr, $3  }
0x3a: {  	_ = 	snop  }
0x3b: {  	_ = 	snop  }
0x3c: {  	p2 =	seq.s32 s10, $0x1;
	s10 =	sld [smem:$0x3FBA]  }
0x3d: {  	_ =	shalt  }
0x3e: {  	_ =	shalt  }
0x3f: {  	_ =	shalt  }
0x40: {  	_ =	shalt  }
0x41: {  	_ =	shalt  }
0x42: {  	_ =	shalt  }
0x43: {  	_ =	shalt  }
0x44: {  	_ =	shalt  }
0x45: {  	_ =	shalt  }
0x46: {  	_ =	shalt  }
0x47: {  	_ =	shalt  }
0x48: {  	_ =	shalt  }
0x49: {  	_ =	shalt  }
0x4a: {  	_ =	shalt  }
0x4b: {  	_ =	shalt  }
0x4c: {  	_ =	shalt  }
0x4d: {  	_ =	shalt  }
0x4e: {  	_ =	shalt  }
0x4f: {  	_ =	shalt  }
0x50: {  	_ =	shalt  }
0x51: {  	_ =	shalt  }
0x52: {  	_ =	shalt  }
0x53: {  	_ =	shalt  }
0x54: {  	_ =	shalt  }
0x55: {  	_ =	shalt  }
0x56: {  	_ =	shalt  }
0x57: {  	_ =	shalt  }
0x58: {  	_ =	shalt  }
0x59: {  	_ =	shalt  }
0x5a: {  	_ =	shalt  }
0x5b: {  	_ =	shalt  }
0x5c: {  	_ =	shalt  }
0x5d: {  	_ =	shalt  }
0x5e: {  	_ =	shalt  }
0x5f: {  	_ =	shalt  }
0x60: {  	_ =	shalt  }
0x61: {  	_ =	shalt  }
0x62: {  	_ =	shalt  }
0x63: {  	_ =	shalt  }
0x64: {  	_ =	shalt  }
0x65: {  	_ =	shalt  }
0x66: {  	_ =	shalt  }
0x67: {  	_ =	shalt  }
0x68: {  	_ =	shalt  }
0x69: {  	_ =	shalt  }
0x6a: {  	_ =	shalt  }
0x6b: {  	_ =	shalt  }
0x6c: {  	_ =	shalt  }
0x6d: {  	_ =	shalt  }
0x6e: {  	_ =	shalt  }
0x6f: {  	_ =	shalt  }
0x70: {  	_ =	shalt  }
0x71: {  	_ =	shalt  }
0x72: {  	_ =	shalt  }
0x73: {  	_ =	shalt  }
0x74: {  	_ =	shalt  }
0x75: {  	_ =	shalt  }
0x76: {  	_ =	shalt  }
0x77: {  	_ =	shalt  }
0x78: {  	_ =	shalt  }
0x79: {  	_ =	shalt  }
0x7a: {  	_ =	shalt  }
0x7b: {  	_ =	shalt  }
0x7c: {  	_ =	shalt  }
0x7d: {  	_ =	shalt  }
0x7e: {  	_ =	shalt  }
0x7f: {  	_ =	shalt  }
0x80: {  	_ =	shalt  }
0x81: {  	_ =	shalt  }
0x82: {  	_ =	shalt  }
0x83: {  	_ =	shalt  }
0x84: {  	_ =	shalt  }
0x85: {  	_ =	shalt  }
0x86: {  	_ =	shalt  }
0x87: {  	_ =	shalt  }
.Lfunc_end0:
.L_simem_size_0:
called_computation.1_lowered:
.L_overlay_start_0:
0x88: {  	s2 =	sld [smem:$0x3FD9]  }
0x89: {  	s3 =	sld [smem:$0x3FFE];
	_ =	sdelay $0x1  }
0x8a: {  	s1 =	srdreg.scid  }
0x8b: {  	s0 =	sand.u32 $0x1, s1  }
0x8c: {  	s17 =	sshll.u32 s0, $0xA;
	s2 =	sadd.s32 s3, s2  }
0x8d: {  	s2 =	sadd.s32 s2, s17  }
0x8e: {  	[smem:$0x3FC6] =	sst s2  }
0x8f: {  	_ = 	snop  }
0x90: {  	s2 =	sld [smem:$0x3FD0];
	(tm) =	ssettm $0x1  }
0x91: {  	s18 =	sld [smem:$0x3FFB];
	_ =	sdelay $0x3  }
0x92: {  	_ =	strace s18  }
0x93: {  	s3 =	sld [smem:$0x3FFC];
	_ =	sdelay $0x3  }
0x94: {  	_ =	strace s3  }
0x95: {  	s3 =	sld [smem:$0x3FFD];
	_ =	sdelay $0x3  }
0x96: {  	_ =	strace s3  }
0x97: {  	_ =	strace $0x8FFFFFFF  }
0x98: {  	s19 =	sld [smem:$0x3FDB];
	_ =	sdelay $0x1  }
0x99: {  	s4 =	simm.s32 $_scs_section_size  }
0x9a: {  	s5 =	simm.s32 $_size__tile_overlayer_lowered;
	s6 =	simm.s32 $_tile_overlayer_lowered  }
0x9b: {  	s22 =	simm.s32 $0x1BFF;
	s21 =	sshll.u32 s6, $0x1;
	s3 =	sadd.s32 s4, s19  }
0x9c: {  	s7 =	simm.s32 $0x0;
	s20 =	sshll.u32 s5, $0x1;
	s5 =	sadd.s32 s21, s3  }
0x9d: {  	[timem:s7], [sflag:s22] =	dma.local [hbm:s5], s20  }
0x9e: {  	_ =	swait.ge [sflag:s22], s20  }
0x9f: {  	s4 =	ssub.s32 $0x0, s20;
	[sflag:s22] =	ssyncset.done $0x0  }
0xa0: {  	[sflag:s22] =	ssyncadd.s32 s4;
	_ =	sdelay $0x1  }
0xa1: {  	s23 =	simm.s32 $0x1B8B  }
0xa2: {  	_ =	swait.ge [sflag:s23], $0x1  }
0xa3: {  	[sflag:s23] =	ssyncset.done $0x0  }
0xa4: {  	s25 =	simm.s32 $0x1B8E;
	s24 =	sld [smem:$0x3FFE];
	[sflag:s23] =	ssyncadd.s32 $0xFFFFFFFF  }
0xa5: {  	s26 =	simm.s32 $execute0_lowered;
	[smem:$0x3FD2] =	sst s25  }
0xa6: {  	s5 =	sshll.u32 s26, $0x1;
	_ =	strace $0x80000046;
	[dreg:$0x1] =	wrdreg $0xFFFFFFFF  }
0xa7: {  	s28 =	simm.s32 $_size_execute0_lowered;
	s3 =	sadd.s32 s3, s5;
	[dreg:$0x0] =	wrdreg $0x0  }
0xa8: {  	s5 =	sshll.u32 s28, $0x1;
	[dreg:$0x2] =	wrdreg s3  }
0xa9: {  	[dreg:$0x3] =	wrdreg s5  }
0xaa: {  	[dreg:$0x4] =	wrdreg $0xC0  }
0xab: {  	_ =	task [dreg:s7], $0x5FFFF  }
0xac: {  	[dreg:$0x1] =	wrdreg $0xFFFFFFFF  }
0xad: {  	[dreg:$0x0] =	wrdreg $0x60  }
0xae: {  	[dreg:$0x2] =	wrdreg s24  }
0xaf: {  	[dreg:$0x3] =	wrdreg s2  }
0xb0: {  	[dreg:$0x4] =	wrdreg $0x9  }
0xb1: {  	_ =	task.clear_ibuf [dreg:s7], $0x5FFFF;
	_ =	strace $0x90000046  }
0xb2: {  	s29 =	simm.s32 $0x9;
	_ =	strace $0x80000048  }
0xb3: {  	_ =	swait.ge [sflag:s29], $0x1  }
0xb4: {  	[sflag:s29] =	ssyncadd.s32 $0xFFFFFFFF  }
0xb5: {  	_ =	strace $0x90000048  }
0xb6: {  	_ =	sfence  }
0xb7: {  	s30 =	sld [smem:$0x0];
	_ =	sdelay $0x2  }
0xb8: {  	s31 =	sshll.u32 s1, $0xD;
	s1 =	sshrl.u32 s1, $0x2  }
0xb9: {  	s3 =	sand.u32 $0x4000, s31;
	s1 =	sadd.s32 s1, s30  }
0xba: {  	s0 =	sor.u32 s3, s0;
	s1 =	sshll.u32 s1, $0x11  }
0xbb: {  	s0 =	sor.u32 s1, s0  }
0xbc: {  	s0 =	sadd.s32 $0x8F2B, s0  }
0xbd: {  	[sflag:s0] =	ssyncadd.remote.s32 $0x1  }
0xbe: {  	_ =	sfence.sel $0xFFFF  }
0xbf: {  	[dreg:$0x0] =	wrdreg $0xFFFFFFFF;
	(pc) =	sbr.abs _section_cstart, $3  }
0xc0: {  	[dreg:$0x1] =	wrdreg $0xFFFFFFFF  }
0xc1: {  	_ =	task.clear_ibuf [dreg:s7], $0x2FFFF;
	_ =	strace $0x9FFFFFFF  }
0xc2: {  	(tm) =	ssettm $0x7FFFFFFF  }
0xc3: {  	_ =	shalt  }
tec
execute0_lowered:
.L_overlay_start_1:
0x0: {  	(tag) =	ssettag $0x1  }
0x1: {  	s0 =	srdreg.scid;
	s1 =	rddreg [dreg:$0x0]  }
0x2: {  	s11 =	stileid.u32;
	s4 =	rddreg [dreg:$0x1]  }
0x3: {  	s12 =	simm.s32 $0x80;
	s13 =	simm.s32 $0x6400;
	s14 =	simm.s32 $0x8400  }
0x4: {  	s16 =	simm.s32 $0xA400;
	s18 =	simm.s32 $0xC400;
	s29 =	simm.s32 $0x16400  }
0x5: {  	s31 =	simm.s32 $0x18400;
	s17 =	simm.s32 $0x1C400;
	s8 =	smul.u32 $0x190, s11  }
0x6: {  	s28 =	simm.s32 $0x5;
	s0 =	sand.u32 $0x1, s0;
	s23 =	smul.u32 $0x64000, s11  }
0x7: {  	s30 =	simm.s32 $0x6;
	s2 =	sshll.u32 s11, $0x1;
	s10 =	smul.u32 $0xC8, s0  }
0x8: {  	s3 =	sor.u32 s0, s2;
	s7 =	ssub.s32 $0x2, s0;
	s0 =	smul.u32 $0x32000, s0  }
0x9: {  	s11 =	simm.s32 $0x7;
	s2 =	simm.s32 $0x0;
	s5 =	smul.u32 $0xC80, s3  }
0xa: {  	[smem:$0x7FF] =	sst s2;
	s6 =	smul.u32 $0x190000, s3;
	s9 =	sshrl.u32 s7, $0x1  }
0xb: {  	s3 =	sadd.s32 $0xF42E00, s1;
	s26 =	sadd.s32 s23, s4;
	s23 =	simm.s32 $0x3  }
0xc: {  	_ =	strace $0x80000047;
	s19 =	ssub.s32 s7, s9;
	s21 =	sadd.s32 s10, s8  }
0xd: {  	s5 =	sadd.s32 s5, s1;
	s6 =	sshrl.u32 s6, $0x3;
	s1 =	smax.u32 s19, $0x1  }
0xe: {  	s19 =	simm.s32 $0x1;
	s5 =	sadd.s32 $0xA00, s5;
	s20 =	sadd.s32 s4, s6  }
0xf: {  	s6 =	sshll.u32 s21, $0xA;
	[dreg:$0x6] =	wrdreg s1;
	s21 =	simm.s32 $0x2  }
0x10: {  	s1 =	simm.s32 $0x0;
	[dreg:$0x3] =	wrdreg s5;
	s22 =	sadd.s32 $0x30000, s20  }
.Ltmp0:
0x11: {  	s5 =	sadd.s32 $0x31000, s20;
	s24 =	sadd.s32 s6, s4;
	(pc) =	sbr.rel .LBB2_1-.Ltmp0, $4  }
0x12: {  	s4 =	sadd.s32 s0, s26;
	s20 =	simm.s32 $0xE400;
	[dreg:$0x4] =	wrdreg s22  }
0x13: {  	s26 =	simm.s32 $0x14400;
	s0 =	simm.s32 $0x1A400;
	[dreg:$0x5] =	wrdreg s5  }
0x14: {  	s25 =	sadd.s32 $0x2000, s24;
	s5 =	sadd.s32 $0x1000, s24;
	s22 =	simm.s32 $0x10400  }
0x15: {  	s24 =	simm.s32 $0x12400;
	[dreg:$0x7] =	wrdreg s25;
	s25 =	simm.s32 $0x4  }
.LBB2_4:
0x16: {  	_ =	swait.ge [sflag:s19], $0x2000  }
0x17: {  	[sflag:s19] =	ssyncset.done $0x0  }
0x18: {  	[sflag:s19] =	ssyncadd.s32 $0xFFFFE000  }
0x19: {  	_ =	swait.ge [sflag:s19], $0x2000  }
0x1a: {  	[sflag:s19] =	ssyncset.done $0x0  }
0x1b: {  	[sflag:s19] =	ssyncadd.s32 $0xFFFFE000  }
0x1c: {  	_ =	swait.ge [sflag:s19], $0x2000  }
0x1d: {  	[sflag:s19] =	ssyncset.done $0x0  }
0x1e: {  	[sflag:s19] =	ssyncadd.s32 $0xFFFFE000  }
0x1f: {  	_ =	swait.ge [sflag:s19], $0x2000  }
0x20: {  	[sflag:s19] =	ssyncset.done $0x0  }
0x21: {  	s6 =	rddreg [dreg:$0x4];
	[sflag:s19] =	ssyncadd.s32 $0xFFFFE000  }
0x22: {  	[hbm4b:s6+s2] =	stream.linear.scatter [tilespmem:s13], [sflag:$0x4], $0x8000, $0x38;
	[tilespmem:$0x1E400] =	vst v63  }
0x23: {  	_ =	swait.ge [sflag:s21], $0x2000  }
0x24: {  	[sflag:s21] =	ssyncset.done $0x0  }
0x25: {  	[sflag:s21] =	ssyncadd.s32 $0xFFFFE000  }
0x26: {  	_ =	swait.ge [sflag:s21], $0x2000  }
0x27: {  	[sflag:s21] =	ssyncset.done $0x0  }
0x28: {  	[sflag:s21] =	ssyncadd.s32 $0xFFFFE000  }
0x29: {  	_ =	swait.ge [sflag:s21], $0x2000  }
0x2a: {  	[sflag:s21] =	ssyncset.done $0x0  }
0x2b: {  	[sflag:s21] =	ssyncadd.s32 $0xFFFFE000  }
0x2c: {  	_ =	swait.ge [sflag:s21], $0x2000  }
0x2d: {  	[sflag:s21] =	ssyncset.done $0x0  }
0x2e: {  	s10 =	rddreg [dreg:$0x5];
	[sflag:s21] =	ssyncadd.s32 $0xFFFFE000  }
0x2f: {  	[hbm4b:s10+s2] =	stream.linear.scatter [tilespmem:s20], [sflag:$0x5], $0x8000, $0x38;
	[tilespmem:$0x1E400] =	vst v63  }
0x30: {  	_ =	swait.ge [sflag:s25], $0x8000  }
0x31: {  	[sflag:s25] =	ssyncset.done $0x0  }
0x32: {  	[sflag:s25] =	ssyncadd.s32 $0xFFFF8000  }
0x33: {  	_ =	swait.ge [sflag:s28], $0x8000  }
0x34: {  	[sflag:s28] =	ssyncset.done $0x0  }
0x35: {  	[sflag:s28] =	ssyncadd.s32 $0xFFFF8000  }
0x36: {  	_ =	swait.ge [sflag:s30], $0x8000  }
0x37: {  	s1 =	sadd.s32 $0x1, s1;
	s15 =	rddreg [dreg:$0x6]  }
0x38: {  	p0 =	sne.s32 s1, s15  }
.Ltmp1:
0x39: {  	_ = 	snop;
	(pc) =	sbr.rel @!p0 .LBB2_5-.Ltmp1, $3  }
0x3a: {  	_ =	sdelay $0x1  }
0x3b: {  	[sflag:s30] =	ssyncset.done $0x0  }
0x3c: {  	[sflag:s30] =	ssyncadd.s32 $0xFFFF8000  }
.LBB2_1:
0x3d: {  	s6 =	rddreg [dreg:$0x3]  }
0x3e: {  	[tilespmem:s2], [sflag:$0x7] =	stream.linear.gather [hbm4b:s6+s2], $0x6400, $0x38;
	[tilespmem:$0x1E400] =	vst v63  }
0x3f: {  	_ =	swait.ge [sflag:s11], $0x6400  }
0x40: {  	[sflag:s11] =	ssyncset.done $0x0  }
0x41: {  	[sflag:s11] =	ssyncadd.s32 $0xFFFF9C00  }
0x42: {  	[tilespmem:s13], [sflag:$0x1] =	stream.indirect.gather [hbm4b:s3+s12], $0x40, s2, s12, $0xb8;
	[tilespmem:$0x1E400] =	vst v63  }
0x43: {  	_ = 	snop  }
0x44: {  	[tilespmem:s14], [sflag:$0x1] =	stream.indirect.gather [hbm4b:s3+s12], $0x40, s12, s12, $0xb8;
	[tilespmem:$0x1E400] =	vst v63  }
0x45: {  	s7 =	simm.s32 $0x100  }
0x46: {  	[tilespmem:s16], [sflag:$0x1] =	stream.indirect.gather [hbm4b:s3+s12], $0x40, s7, s12, $0xb8;
	[tilespmem:$0x1E400] =	vst v63  }
0x47: {  	s8 =	simm.s32 $0x180  }
0x48: {  	[tilespmem:s18], [sflag:$0x1] =	stream.indirect.gather [hbm4b:s3+s12], $0x40, s8, s12, $0xb8;
	[tilespmem:$0x1E400] =	vst v63  }
0x49: {  	s9 =	simm.s32 $0x200  }
0x4a: {  	[tilespmem:s20], [sflag:$0x2] =	stream.indirect.gather [hbm4b:s3+s12], $0x40, s9, s12, $0xb8;
	[tilespmem:$0x1E400] =	vst v63  }
0x4b: {  	s10 =	simm.s32 $0x280  }
0x4c: {  	[tilespmem:s22], [sflag:$0x2] =	stream.indirect.gather [hbm4b:s3+s12], $0x40, s10, s12, $0xb8;
	[tilespmem:$0x1E400] =	vst v63  }
0x4d: {  	s15 =	simm.s32 $0x300  }
0x4e: {  	[tilespmem:s24], [sflag:$0x2] =	stream.indirect.gather [hbm4b:s3+s12], $0x40, s15, s12, $0xb8;
	[tilespmem:$0x1E400] =	vst v63  }
0x4f: {  	s7 =	simm.s32 $0x380  }
0x50: {  	[tilespmem:s26], [sflag:$0x2] =	stream.indirect.gather [hbm4b:s3+s12], $0x40, s7, s12, $0xb8;
	[tilespmem:$0x1E400] =	vst v63  }
0x51: {  	s8 =	simm.s32 $0x400  }
0x52: {  	[tilespmem:s29], [sflag:$0x3] =	stream.indirect.gather [hbm4b:s3+s12], $0x40, s8, s12, $0xb8;
	[tilespmem:$0x1E400] =	vst v63  }
0x53: {  	s9 =	simm.s32 $0x480  }
0x54: {  	[tilespmem:s31], [sflag:$0x3] =	stream.indirect.gather [hbm4b:s3+s12], $0x40, s9, s12, $0xb8;
	[tilespmem:$0x1E400] =	vst v63  }
0x55: {  	s10 =	simm.s32 $0x500  }
0x56: {  	[tilespmem:s0], [sflag:$0x3] =	stream.indirect.gather [hbm4b:s3+s12], $0x40, s10, s12, $0xb8;
	[tilespmem:$0x1E400] =	vst v63  }
0x57: {  	s15 =	simm.s32 $0x580;
	s8 =	rddreg [dreg:$0x7]  }
0x58: {  	[tilespmem:s17], [sflag:$0x3] =	stream.indirect.gather [hbm4b:s3+s12], $0x40, s15, s12, $0xb8;
	[tilespmem:$0x1E400] =	vst v63  }
0x59: {  	s9 =	smov.u32 s5;
	s10 =	smov.u32 s4;
	s15 =	simm.s32 $0x0  }
.LBB2_2:
0x5a: {  	_ =	swait.ge [sflag:s19], $0x2000  }
0x5b: {  	[sflag:s19] =	ssyncset.done $0x0  }
0x5c: {  	[sflag:s19] =	ssyncadd.s32 $0xFFFFE000  }
0x5d: {  	_ =	swait.ge [sflag:s19], $0x2000  }
0x5e: {  	[sflag:s19] =	ssyncset.done $0x0  }
0x5f: {  	[sflag:s19] =	ssyncadd.s32 $0xFFFFE000  }
0x60: {  	_ =	swait.ge [sflag:s19], $0x2000  }
0x61: {  	[sflag:s19] =	ssyncset.done $0x0  }
0x62: {  	[sflag:s19] =	ssyncadd.s32 $0xFFFFE000  }
0x63: {  	_ =	swait.ge [sflag:s19], $0x2000  }
0x64: {  	[sflag:s19] =	ssyncset.done $0x0  }
0x65: {  	[sflag:s19] =	ssyncadd.s32 $0xFFFFE000  }
0x66: {  	[hbm4b:s10+s2] =	stream.linear.scatter [tilespmem:s13], [sflag:$0x4], $0x8000, $0x38;
	[tilespmem:$0x1E400] =	vst v63  }
0x67: {  	_ =	swait.ge [sflag:s21], $0x2000  }
0x68: {  	[sflag:s21] =	ssyncset.done $0x0  }
0x69: {  	[sflag:s21] =	ssyncadd.s32 $0xFFFFE000  }
0x6a: {  	_ =	swait.ge [sflag:s21], $0x2000  }
0x6b: {  	[sflag:s21] =	ssyncset.done $0x0  }
0x6c: {  	[sflag:s21] =	ssyncadd.s32 $0xFFFFE000  }
0x6d: {  	_ =	swait.ge [sflag:s21], $0x2000  }
0x6e: {  	[sflag:s21] =	ssyncset.done $0x0  }
0x6f: {  	[sflag:s21] =	ssyncadd.s32 $0xFFFFE000  }
0x70: {  	_ =	swait.ge [sflag:s21], $0x2000  }
0x71: {  	[sflag:s21] =	ssyncset.done $0x0  }
0x72: {  	[sflag:s21] =	ssyncadd.s32 $0xFFFFE000  }
0x73: {  	[hbm4b:s9+s2] =	stream.linear.scatter [tilespmem:s20], [sflag:$0x5], $0x8000, $0x38;
	[tilespmem:$0x1E400] =	vst v63  }
0x74: {  	_ =	swait.ge [sflag:s23], $0x2000  }
0x75: {  	[sflag:s23] =	ssyncset.done $0x0  }
0x76: {  	[sflag:s23] =	ssyncadd.s32 $0xFFFFE000  }
0x77: {  	_ =	swait.ge [sflag:s23], $0x2000  }
0x78: {  	[sflag:s23] =	ssyncset.done $0x0  }
0x79: {  	[sflag:s23] =	ssyncadd.s32 $0xFFFFE000  }
0x7a: {  	_ =	swait.ge [sflag:s23], $0x2000  }
0x7b: {  	[sflag:s23] =	ssyncset.done $0x0  }
0x7c: {  	[sflag:s23] =	ssyncadd.s32 $0xFFFFE000  }
0x7d: {  	_ =	swait.ge [sflag:s23], $0x2000  }
0x7e: {  	[sflag:s23] =	ssyncset.done $0x0  }
0x7f: {  	[sflag:s23] =	ssyncadd.s32 $0xFFFFE000  }
0x80: {  	[hbm4b:s8+s2] =	stream.linear.scatter [tilespmem:s29], [sflag:$0x6], $0x8000, $0x38;
	[tilespmem:$0x1E400] =	vst v63  }
0x81: {  	_ =	swait.ge [sflag:s25], $0x8000  }
0x82: {  	s7 =	sshra.s32 s15, $0x2;
	[sflag:s25] =	ssyncset.done $0x0  }
0x83: {  	s6 =	sadd.s32 $0x600, s7;
	[sflag:s25] =	ssyncadd.s32 $0xFFFF8000  }
0x84: {  	[tilespmem:s13], [sflag:$0x1] =	stream.indirect.gather [hbm4b:s3+s12], $0x40, s6, s12, $0xb8;
	[tilespmem:$0x1E400] =	vst v63  }
0x85: {  	s6 =	sadd.s32 $0x680, s7  }
0x86: {  	[tilespmem:s14], [sflag:$0x1] =	stream.indirect.gather [hbm4b:s3+s12], $0x40, s6, s12, $0xb8;
	[tilespmem:$0x1E400] =	vst v63  }
0x87: {  	s6 =	sadd.s32 $0x700, s7  }
0x88: {  	[tilespmem:s16], [sflag:$0x1] =	stream.indirect.gather [hbm4b:s3+s12], $0x40, s6, s12, $0xb8;
	[tilespmem:$0x1E400] =	vst v63  }
0x89: {  	s6 =	sadd.s32 $0x780, s7  }
0x8a: {  	[tilespmem:s18], [sflag:$0x1] =	stream.indirect.gather [hbm4b:s3+s12], $0x40, s6, s12, $0xb8;
	[tilespmem:$0x1E400] =	vst v63  }
0x8b: {  	_ =	swait.ge [sflag:s28], $0x8000  }
0x8c: {  	[sflag:s28] =	ssyncset.done $0x0  }
0x8d: {  	s6 =	sadd.s32 $0x800, s7;
	[sflag:s28] =	ssyncadd.s32 $0xFFFF8000  }
0x8e: {  	[tilespmem:s20], [sflag:$0x2] =	stream.indirect.gather [hbm4b:s3+s12], $0x40, s6, s12, $0xb8;
	[tilespmem:$0x1E400] =	vst v63  }
0x8f: {  	p0 =	seq.s32 s15, $0x16800;
	s6 =	sadd.s32 $0x880, s7  }
0x90: {  	[tilespmem:s22], [sflag:$0x2] =	stream.indirect.gather [hbm4b:s3+s12], $0x40, s6, s12, $0xb8;
	[tilespmem:$0x1E400] =	vst v63  }
.Ltmp2:
0x91: {  	_ = 	snop;
	(pc) =	sbr.rel @p0 .LBB2_4-.Ltmp2, $4  }
0x92: {  	s6 =	sadd.s32 $0x900, s7  }
0x93: {  	[tilespmem:s24], [sflag:$0x2] =	stream.indirect.gather [hbm4b:s3+s12], $0x40, s6, s12, $0xb8;
	[tilespmem:$0x1E400] =	vst v63  }
0x94: {  	s6 =	sadd.s32 $0x980, s7  }
0x95: {  	[tilespmem:s26], [sflag:$0x2] =	stream.indirect.gather [hbm4b:s3+s12], $0x40, s6, s12, $0xb8;
	[tilespmem:$0x1E400] =	vst v63  }
0x96: {  	_ =	swait.ge [sflag:s30], $0x8000  }
0x97: {  	[sflag:s30] =	ssyncset.done $0x0  }
0x98: {  	s6 =	sadd.s32 $0xA00, s7;
	[sflag:s30] =	ssyncadd.s32 $0xFFFF8000  }
0x99: {  	[tilespmem:s29], [sflag:$0x3] =	stream.indirect.gather [hbm4b:s3+s12], $0x40, s6, s12, $0xb8;
	[tilespmem:$0x1E400] =	vst v63  }
0x9a: {  	s6 =	sadd.s32 $0xA80, s7  }
0x9b: {  	[tilespmem:s31], [sflag:$0x3] =	stream.indirect.gather [hbm4b:s3+s12], $0x40, s6, s12, $0xb8;
	[tilespmem:$0x1E400] =	vst v63  }
.Ltmp3:
0x9c: {  	_ = 	snop;
	(pc) =	sbr.rel .LBB2_2-.Ltmp3, $4  }
0x9d: {  	s8 =	sadd.s32 $0x3000, s8;
	s9 =	sadd.s32 $0x3000, s9;
	s6 =	sadd.s32 $0xB00, s7  }
0x9e: {  	[tilespmem:s0], [sflag:$0x3] =	stream.indirect.gather [hbm4b:s3+s12], $0x40, s6, s12, $0xb8;
	[tilespmem:$0x1E400] =	vst v63  }
0x9f: {  	s10 =	sadd.s32 $0x3000, s10;
	s15 =	sadd.s32 $0x1800, s15;
	s7 =	sadd.s32 $0xB80, s7  }
0xa0: {  	[tilespmem:s17], [sflag:$0x3] =	stream.indirect.gather [hbm4b:s3+s12], $0x40, s7, s12, $0xb8;
	[tilespmem:$0x1E400] =	vst v63  }
.LBB2_5:
0xa1: {  	_ =	sfence.sel $0x180000  }
0xa2: {  	[bflag:$0x0] =	sbarrier.arrive $0xFFFF  }
0xa3: {  	_ =	strace $0x90000047  }
0xa4: {  	s0 =	stileid.u32;
	[bflag:$0x2] =	sbarrier.arrive $0xFFFF  }
0xa5: {  	p0 =	sne.s32 s0, $0x0;
	s0 =	rddreg [dreg:$0x2]  }
0xa6: {  	s0 =	sadd.s32 @!p0 $0x100000, s0  }
0xa7: {  	[sflag:s0] =	ssyncadd.tile.s32 @!p0 $0x1;
	_ =	shalt  }
.Lfunc_end2:
_tile_overlayer_lowered:
.L_overlay_start_2:
0xa8: {  	(tag) =	ssettag $0x2  }
0xa9: {  	s0 =	rddreg [dreg:$0x0];
	s2 =	stileid.u32  }
0xaa: {  	s1 =	rddreg [dreg:$0x1];
	p0 =	sne.s32 s2, $0x0  }
0xab: {  	s3 =	rddreg [dreg:$0x2];
	[bflag:$0x3] =	sbarrier.arrive $0xFFFF;
	s2 =	simm.s32 @!p0 $0x1C07  }
0xac: {  	[timem:s3], [sflag:s2] =	dma.local @!p0 [hbm:s0], s1  }
0xad: {  	s0 =	simm.s32 @!p0 $0x7  }
0xae: {  	_ =	swait.ge @!p0 [sflag:s0], s1  }
0xaf: {  	s1 =	ssub.s32 @!p0 $0x0, s1;
	[sflag:s0] =	ssyncset.done @!p0 $0x0  }
0xb0: {  	[sflag:s0] =	ssyncadd.s32 @!p0 s1  }
0xb1: {  	[bflag:$0x3] =	sbarrier.arrive $0xFFFF  }
0xb2: {  	_ =	shalt  }

// kernel: sparse-core-data-format-call.cloned.1.call-start
scs
called_computation_lowered:
.L_overlay_start_0:
0x0: {  	s2 =	sld [smem:$0x3FD9]  }
0x1: {  	s3 =	sld [smem:$0x3FFE];
	_ =	sdelay $0x1  }
0x2: {  	s1 =	srdreg.scid  }
0x3: {  	s0 =	sand.u32 $0x1, s1  }
0x4: {  	s18 =	sshll.u32 s0, $0xA;
	s2 =	sadd.s32 s3, s2  }
0x5: {  	s2 =	sadd.s32 s2, s18  }
0x6: {  	[smem:$0x3FC6] =	sst s2  }
0x7: {  	_ = 	snop  }
0x8: {  	s2 =	sld [smem:$0x3FD0];
	(tm) =	ssettm $0x1  }
0x9: {  	s19 =	sld [smem:$0x3FFB];
	_ =	sdelay $0x3  }
0xa: {  	_ =	strace s19  }
0xb: {  	s3 =	sld [smem:$0x3FFC];
	_ =	sdelay $0x3  }
0xc: {  	_ =	strace s3  }
0xd: {  	s3 =	sld [smem:$0x3FFD];
	_ =	sdelay $0x3  }
0xe: {  	_ =	strace s3  }
0xf: {  	_ =	strace $0x8FFFFFFF  }
0x10: {  	s20 =	sld [smem:$0x3FDB];
	_ =	sdelay $0x1  }
0x11: {  	s4 =	simm.s32 $_scs_section_size  }
0x12: {  	s5 =	simm.s32 $_size__tile_overlayer_lowered;
	s6 =	simm.s32 $_tile_overlayer_lowered  }
0x13: {  	s23 =	simm.s32 $0x1BFF;
	s22 =	sshll.u32 s6, $0x1;
	s3 =	sadd.s32 s4, s20  }
0x14: {  	s7 =	simm.s32 $0x0;
	s21 =	sshll.u32 s5, $0x1;
	s5 =	sadd.s32 s22, s3  }
0x15: {  	[timem:s7], [sflag:s23] =	dma.local [hbm:s5], s21  }
0x16: {  	_ =	swait.ge [sflag:s23], s21  }
0x17: {  	s4 =	ssub.s32 $0x0, s21;
	[sflag:s23] =	ssyncset.done $0x0  }
0x18: {  	[sflag:s23] =	ssyncadd.s32 s4;
	_ =	sdelay $0x1  }
0x19: {  	s24 =	simm.s32 $0x1B8B  }
0x1a: {  	_ =	swait.ge [sflag:s24], $0x1  }
0x1b: {  	[sflag:s24] =	ssyncset.done $0x0  }
0x1c: {  	s26 =	simm.s32 $0x1B8E;
	s25 =	sld [smem:$0x3FFE];
	[sflag:s24] =	ssyncadd.s32 $0xFFFFFFFF  }
0x1d: {  	s27 =	simm.s32 $execute0_lowered;
	[smem:$0x3FD2] =	sst s26  }
0x1e: {  	s5 =	sshll.u32 s27, $0x1;
	_ =	strace $0x80000049;
	[dreg:$0x1] =	wrdreg $0xFFFFFFFF  }
0x1f: {  	s28 =	simm.s32 $_size_execute0_lowered;
	s3 =	sadd.s32 s3, s5;
	[dreg:$0x0] =	wrdreg $0x0  }
0x20: {  	s5 =	sshll.u32 s28, $0x1;
	[dreg:$0x2] =	wrdreg s3  }
0x21: {  	[dreg:$0x3] =	wrdreg s5  }
0x22: {  	[dreg:$0x4] =	wrdreg $0xC0  }
0x23: {  	_ =	task [dreg:s7], $0x5FFFF  }
0x24: {  	[dreg:$0x1] =	wrdreg $0xFFFFFFFF  }
0x25: {  	[dreg:$0x0] =	wrdreg $0x60  }
0x26: {  	[dreg:$0x2] =	wrdreg s25  }
0x27: {  	[dreg:$0x3] =	wrdreg s2  }
0x28: {  	[dreg:$0x4] =	wrdreg $0x9  }
0x29: {  	_ =	task.clear_ibuf [dreg:s7], $0x5FFFF;
	_ =	strace $0x90000049  }
0x2a: {  	s29 =	simm.s32 $0x9;
	_ =	strace $0x8000004B  }
0x2b: {  	_ =	swait.ge [sflag:s29], $0x1  }
0x2c: {  	[sflag:s29] =	ssyncadd.s32 $0xFFFFFFFF  }
0x2d: {  	_ =	strace $0x9000004B  }
0x2e: {  	_ =	sfence  }
0x2f: {  	s30 =	sld [smem:$0x0];
	_ =	sdelay $0x2  }
0x30: {  	s31 =	sshll.u32 s1, $0xD;
	s1 =	sshrl.u32 s1, $0x2  }
0x31: {  	s3 =	sand.u32 $0x4000, s31;
	s1 =	sadd.s32 s1, s30  }
0x32: {  	s0 =	sor.u32 s3, s0;
	s1 =	sshll.u32 s1, $0x11  }
0x33: {  	s0 =	sor.u32 s1, s0  }
0x34: {  	s0 =	sadd.s32 $0x8F2B, s0  }
0x35: {  	[sflag:s0] =	ssyncadd.remote.s32 $0x1  }
0x36: {  	_ =	sfence.sel $0xFFFF  }
0x37: {  	[dreg:$0x0] =	wrdreg $0xFFFFFFFF;
	(pc) =	sbr.abs _section_cstart, $3  }
0x38: {  	[dreg:$0x1] =	wrdreg $0xFFFFFFFF  }
0x39: {  	_ =	task.clear_ibuf [dreg:s7], $0x2FFFF;
	_ =	strace $0x9FFFFFFF  }
0x3a: {  	(tm) =	ssettm $0x7FFFFFFF  }
0x3b: {  	_ =	shalt  }
tec
execute0_lowered:
.L_overlay_start_1:
0x0: {  	(tag) =	ssettag $0x1  }
0x1: {  	s0 =	srdreg.scid  }
0x2: {  	s1 =	sshll.u32 s0, $0x4  }
0x3: {  	s0 =	stileid.u32;
	s1 =	sand.u32 $0x10, s1  }
0x4: {  	s1 =	sor.u32 s0, s1  }
0x5: {  	s6 =	rddreg [dreg:$0x0];
	s4 =	simm.s32 $0x1;
	s2 =	sshll.u32 s1, $0x7  }
0x6: {  	s7 =	simm.s32 $0x2;
	s12 =	simm.s32 $0x0;
	s1 =	ssub.s32 $0x1000, s2  }
0x7: {  	s8 =	simm.s32 $0x8000;
	s13 =	simm.s32 $0x0;
	s3 =	sand.u32 $0xF80, s1  }
0x8: {  	s9 =	simm.s32 $0x0;
	s5 =	sshrl.u32 s1, $0xC;
	p0 =	sne.s32 s3, $0x0  }
.Ltmp0:
0x9: {  	s1 =	rddreg [dreg:$0x2];
	s4 =	simm.s32 @!p0 $0x0;
	(pc) =	sbr.rel .LBB1_1-.Ltmp0, $4  }
0xa: {  	s11 =	simm.s32 $0x0;
	s3 =	rddreg [dreg:$0x1];
	s5 =	sadd.s32 s4, s5  }
0xb: {  	_ =	strace $0x8000004A;
	s4 =	simm.s32 $0x1;
	s5 =	smul.u32 $0xC8, s5  }
0xc: {  	s6 =	sadd.s32 $0xA00, s6;
	s10 =	smov.u32 s2;
	[sflag:s4] =	ssyncpa.u1 $0x0  }
0xd: {  	p0 =	por $0x0, $0x0;
	[sflag:s7] =	ssyncpa.u1 $0x0;
	s7 =	sor.u32 $0x1, s5  }
.LBB1_4:
0xe: {  	s16 =	sshll.u32 s13, $0x3;
	s17 =	sand.u32 $0x78, s13  }
0xf: {  	s30 =	sand.u32 $0x7E00, s13;
	s12 =	sshll.u32 s12, $0xF;
	s16 =	sand.u32 $0xC00, s16  }
0x10: {  	[tilespmem:s15+$0x810 ss:$0x81] =	vst.msk $0xffff, v2;
	s31 =	sand.u32 $0x7, s13;
	s16 =	sor.u32 s17, s16;
	s17 =	sadd.s32 s3, s30  }
0x11: {  	[tilespmem:s15+$0x1020 ss:$0x81] =	vst.msk $0xffff, v0;
	s13 =	sshll.u32 s31, $0x12;
	s12 =	sadd.s32 s12, s17;
	s16 =	sshrl.u32 s16, $0x3  }
0x12: {  	[tilespmem:s15+$0x0 ss:$0x81] =	vst.msk $0xffff, v1;
	s13 =	sor.u32 $0x400, s13;
	s12 =	sadd.s32 s16, s12  }
0x13: {  	[hbm4b:s12+s13] =	stream.strided.scatter [tilespmem:s14], [sflag:$0x2], $0x2000, s8, s13, $0x20;
	[tilespmem:$0x8080] =	vst v63  }
.LBB1_5:
0x14: {  	s14 =	sadd.s32 $0x1, s9  }
0x15: {  	s12 =	sadd.s32 $0x1000, s10;
	s16 =	smov.u32 s10;
	p2 =	sgt.s32 s14, $0xC7  }
0x16: {  	s16 =	smov.u32 @p2 s12  }
0x17: {  	s14 =	simm.s32 @p2 $0x0;
	p2 =	sgt.s32 s16, $0xFFF  }
0x18: {  	s16 =	smov.u32 @p2 s2;
	p2 =	sne.s32 s11, s7  }
.Ltmp1:
0x19: {  	p1 =	slt.u32 s11, $0x2;
	(pc) =	sbr.rel @!p2 .LBB1_6-.Ltmp1, $4  }
0x1a: {  	s15 =	simm.s32 @!p1 $0x2  }
0x1b: {  	s13 =	smov.u32 s10;
	p0 =	por !p0, !p0;
	_ =	swait.ge @!p1 [sflag:s15], $0x2000  }
0x1c: {  	s12 =	smov.u32 s9;
	[sflag:s15] =	ssyncset.done @!p1 $0x0;
	s9 =	smov.u32 s14  }
0x1d: {  	s11 =	sadd.s32 $0x1, s11;
	[sflag:s15] =	ssyncadd.s32 @!p1 $0xFFFFE000;
	s10 =	smov.u32 s16  }
.LBB1_1:
0x1e: {  	p1 =	sge.u32 s11, s5  }
0x1f: {  	s14 =	sand.u32 @!p1 $0x1FFFFFF, s9  }
0x20: {  	s15 =	smulhi.u32 @!p1 $0x147AE15, s14;
	_ =	sdelay $0x1  }
0x21: {  	s15 =	smul.u32 @!p1 $0xC8, s15  }
0x22: {  	s16 =	sxor.u32 @!p1 $0xFFFFFFFF, s11;
	s17 =	smul.u32 @!p1 $0xC80, s10  }
0x23: {  	s31 =	sadd.s32 $0xFFFFFFFF, s11;
	s16 =	sshll.u32 @!p1 s16, $0xD;
	s14 =	ssub.s32 @!p1 s14, s15  }
0x24: {  	s15 =	sand.u32 @!p1 $0x2000, s16;
	s16 =	sadd.s32 @!p1 s6, s17;
	s14 =	sshll.u32 @!p1 s14, $0x4  }
0x25: {  	s17 =	simm.s32 @!p1 $0x6400;
	s14 =	sadd.s32 @!p1 s14, s16;
	s16 =	simm.s32 @!p1 $0x40  }
0x26: {  	[tilespmem:s15], [sflag:$0x1] =	stream.strided.gather @!p1 [hbm4b:s14+s16], $0x2000, s17, s16, $0x38;
	[tilespmem:$0x8080] =	vst v63  }
0x27: {  	p1 =	sge.u32 s31, s5  }
.Ltmp2:
0x28: {  	_ = 	snop;
	(pc) =	sbr.rel @p1 .LBB1_5-.Ltmp2, $1  }
0x29: {  	_ =	sdelay $0x3  }
0x2a: {  	s14 =	simm.s32 $0x1  }
0x2b: {  	_ =	swait.ge [sflag:s4], $0x2000;
	s14 =	simm.s32 @!p0 $0x0  }
0x2c: {  	[sflag:s4] =	ssyncset.done $0x0;
	s15 =	sshll.u32 s14, $0xD  }
0x2d: {  	[sflag:s4] =	ssyncadd.s32 $0xFFFFE000;
	s18 =	sor.u32 $0x20, s15  }
0x2e: {  	s14 =	smul.u32 $0x8100, s14;
	v3 =	vld [tilespmem:s18+$0x10]  }
0x2f: {  	s30 =	sand.u32 $0x1, s11;
	v2 =	vld [tilespmem:s18+$0xFFFFFFF0]  }
0x30: {  	s15 =	smul.u32 $0x8100, s30;
	s14 =	sshrl.u32 s14, $0x2;
	v0 =	vld [tilespmem:s18+$0x0]  }
0x31: {  	v1 =	vld [tilespmem:s18+$0xFFFFFFE0];
	s16 =	sor.u32 $0x4000, s14  }
0x32: {  	s31 =	sshrl.u32 s15, $0x2;
	s15 =	sadd.s32 $0x0, s16  }
0x33: {  	s17 =	simm.s32 $0x4;
	s18 =	sadd.s32 $0x40, s18;
	s14 =	sor.u32 $0x4000, s31;
	[tilespmem:s15+$0x1830 ss:$0x81] =	vst.msk $0xffff, v3  }
.LBB1_3:
0x34: {  	v3 =	vld [tilespmem:s18+$0x10];
	p1 =	sne.s32 s17, $0x1FC;
	[tilespmem:s15+$0x810 ss:$0x81] =	vst.msk $0xffff, v2;
	s19 =	smov.u32 s17;
	s17 =	sadd.s32 $0x4, s17  }
.Ltmp3:
0x35: {  	v2 =	vld [tilespmem:s18+$0xFFFFFFF0];
	[tilespmem:s15+$0x1020 ss:$0x81] =	vst.msk $0xffff, v0;
	(pc) =	sbr.rel @p1 .LBB1_3-.Ltmp3, $4  }
0x36: {  	v0 =	vld [tilespmem:s18+$0x0];
	[tilespmem:s15+$0x0 ss:$0x81] =	vst.msk $0xffff, v1  }
0x37: {  	s15 =	sshra.s32 s19, $0x2;
	v1 =	vld [tilespmem:s18+$0xFFFFFFE0]  }
0x38: {  	s15 =	sadd.s32 s15, s16  }
0x39: {  	s18 =	sadd.s32 $0x40, s18;
	[tilespmem:s15+$0x1830 ss:$0x81] =	vst.msk $0xffff, v3  }
.Ltmp4:
0x3a: {  	_ = 	snop;
	(pc) =	sbr.rel .LBB1_4-.Ltmp4, $1  }
0x3b: {  	_ =	sdelay $0x3  }
.LBB1_6:
0x3c: {  	_ =	sfence.sel $0x180000  }
0x3d: {  	s2 =	simm.s32 $0x1;
	[bflag:$0x0] =	sbarrier.arrive $0xFFFF  }
0x3e: {  	s31 =	simm.s32 $0x2;
	[sflag:s2] =	ssyncpa.u1 $0x1  }
0x3f: {  	[sflag:s31] =	ssyncpa.u1 $0x1  }
0x40: {  	p0 =	sne.s32 s0, $0x0;
	_ =	strace $0x9000004A  }
0x41: {  	s0 =	sadd.s32 @!p0 $0x100000, s1;
	[bflag:$0x2] =	sbarrier.arrive $0xFFFF  }
0x42: {  	[sflag:s0] =	ssyncadd.tile.s32 @!p0 $0x1;
	_ =	shalt  }
.Lfunc_end1:
_tile_overlayer_lowered:
.L_overlay_start_2:
0x43: {  	(tag) =	ssettag $0x2  }
0x44: {  	s0 =	rddreg [dreg:$0x0];
	s2 =	stileid.u32  }
0x45: {  	s1 =	rddreg [dreg:$0x1];
	p0 =	sne.s32 s2, $0x0  }
0x46: {  	s3 =	rddreg [dreg:$0x2];
	[bflag:$0x3] =	sbarrier.arrive $0xFFFF;
	s2 =	simm.s32 @!p0 $0x1C01  }
0x47: {  	[timem:s3], [sflag:s2] =	dma.local @!p0 [hbm:s0], s1  }
0x48: {  	s0 =	simm.s32 @!p0 $0x1  }
0x49: {  	_ =	swait.ge @!p0 [sflag:s0], s1  }
0x4a: {  	s1 =	ssub.s32 @!p0 $0x0, s1;
	[sflag:s0] =	ssyncset.done @!p0 $0x0  }
0x4b: {  	[sflag:s0] =	ssyncadd.s32 @!p0 s1  }
0x4c: {  	[bflag:$0x3] =	sbarrier.arrive $0xFFFF  }
0x4d: {  	_ =	shalt  }

</sc_bundles>
